<compile_context>
chip_gen: v7x
topology: tpu7x:2x2x1
jax: 0.10.2.dev20260603
libtpu: 0.0.44.dev20260713+nightly
codegen_flags: <defaults>
</compile_context>

<pallas_src>
import functools

import jax
import jax.numpy as jnp
from jax import lax
from jax.experimental import pallas as pl
from jax.experimental.pallas import tpu as pltpu
from jax.experimental.pallas import tpu_sc as plsc

_N = 4194304
_K = _N // 2
_R = 4096
_C = 1024
_BR = 128
_NW = 32
_PER_W = _N // _NW
_CH = 8192
_U = 8
_L = 16


_TB = _N // 32


def _tail_body(o_ref, g_ref, tau_ref, s_ref, cnt_ref, facc_ref, cacc_ref):
    i = pl.program_id(0)
    t = o_ref[...] * g_ref[...]
    u = lax.bitcast_convert_type(t, jnp.int32)
    key = u ^ ((u >> 31) & jnp.int32(0x7FFFFFFF))
    m = key < tau_ref[0, 0]
    sp_neg = jnp.log(jnp.exp(-t) + 1.0)
    val = sp_neg + jnp.where(m, t + sp_neg, jnp.float32(0.0))
    bsum = jnp.sum(val)
    bcnt = jnp.sum(m.astype(jnp.int32))

    @pl.when(i == 0)
    def _():
        facc_ref[0, 0] = jnp.float32(0.0)
        cacc_ref[0, 0] = jnp.int32(0)

    facc_ref[0, 0] += bsum
    cacc_ref[0, 0] += bcnt

    @pl.when(i == pl.num_programs(0) - 1)
    def _():
        s_ref[0, 0] = facc_ref[0, 0]
        cnt_ref[0, 0] = cacc_ref[0, 0]


_tail_pass = pl.pallas_call(
    _tail_body,
    grid=(_N // _TB,),
    in_specs=[
        pl.BlockSpec((_TB,), lambda i: (i,)),
        pl.BlockSpec((_TB,), lambda i: (i,)),
        pl.BlockSpec(memory_space=pltpu.SMEM),
    ],
    out_specs=[
        pl.BlockSpec(memory_space=pltpu.SMEM),
        pl.BlockSpec(memory_space=pltpu.SMEM),
    ],
    out_shape=[
        jax.ShapeDtypeStruct((1, 1), jnp.float32),
        jax.ShapeDtypeStruct((1, 1), jnp.int32),
    ],
    scratch_shapes=[
        pltpu.SMEM((1, 1), jnp.float32),
        pltpu.SMEM((1, 1), jnp.int32),
    ],
)


def _make_sc_pass(shift, nbits, match):
    nb = 1 << nbits
    mesh = plsc.VectorSubcoreMesh(core_axis_name="c", subcore_axis_name="s")

    def body(o_hbm, g_hbm, *rest):
        if match:
            (h1_hbm, hist_out, o_a, g_a, o_b, g_b,
             hist_v, merged_v, h1a_v, h1b_v, shared, sem_a, sem_b) = rest
        else:
            (hist_out, o_a, g_a, o_b, g_b,
             hist_v, merged_v, shared, sem_a, sem_b) = rest
        cid = lax.axis_index("c")
        sid = lax.axis_index("s")
        wid = cid * 16 + sid
        base = wid * _PER_W

        @functools.partial(plsc.parallel_loop, 0, nb, unroll=8)
        def _(z):
            hist_v[pl.ds(z * _L, _L)] = jnp.zeros((_L,), jnp.int32)

        if match:
            pltpu.sync_copy(h1_hbm.at[0], h1a_v)
            pltpu.sync_copy(h1_hbm.at[1], h1b_v)

            def scan_body(c, carry):
                tot, bcnt = carry
                v = h1a_v[pl.ds(c * _L, _L)] + h1b_v[pl.ds(c * _L, _L)]
                pc = plsc.cumsum(v) + tot
                mlt = pc < jnp.int32(_K)
                bcnt = bcnt + plsc.all_reduce_population_count(mlt)
                tot = tot + jnp.sum(v)
                return tot, bcnt

            _, pref = lax.fori_loop(
                0, nb // _L, scan_body,
                (jnp.int32(0), jnp.zeros((_L,), jnp.int32)))
        else:
            pref = None
        lane_off = lax.iota(jnp.int32, _L) * nb
        ones = jnp.ones((_L,), jnp.int32)
        nch = _PER_W // _CH

        def start(ci, ob, gb, sem):
            pltpu.async_copy(o_hbm.at[pl.ds(base + ci * _CH, _CH)], ob, sem)
            pltpu.async_copy(g_hbm.at[pl.ds(base + ci * _CH, _CH)], gb, sem)

        def drain(ob, gb, sem):
            pltpu.make_async_copy(o_hbm.at[pl.ds(0, _CH)], ob, sem).wait()
            pltpu.make_async_copy(o_hbm.at[pl.ds(0, _CH)], gb, sem).wait()

        def process(ob, gb):
            @functools.partial(plsc.parallel_loop, 0, _CH // _L, unroll=_U)
            def _(vi):
                t = ob[pl.ds(vi * _L, _L)] * gb[pl.ds(vi * _L, _L)]
                u = lax.bitcast_convert_type(t, jnp.int32)
                uk = (u ^ ((u >> 31) & jnp.int32(0x7FFFFFFF))
                      ) ^ jnp.int32(-2147483648)
                bucket = lax.shift_right_logical(uk, shift) & jnp.int32(nb - 1)
                idx = bucket + lane_off
                if match:
                    pm = lax.shift_right_logical(uk, shift + nbits) == pref
                    plsc.addupdate_scatter(hist_v, [idx], ones, mask=pm)
                else:
                    plsc.addupdate_scatter(hist_v, [idx], ones)

        start(0, o_a, g_a, sem_a)

        def pair_body(p, carry):
            c0 = 2 * p
            start(c0 + 1, o_b, g_b, sem_b)
            drain(o_a, g_a, sem_a)
            process(o_a, g_a)

            @pl.when(c0 + 2 < nch)
            def _():
                start(c0 + 2, o_a, g_a, sem_a)

            drain(o_b, g_b, sem_b)
            process(o_b, g_b)
            return carry

        lax.fori_loop(0, nch // 2, pair_body, 0)

        def merge16(src_v):
            @functools.partial(plsc.parallel_loop, 0, nb // _L, unroll=4)
            def _(c):
                acc = src_v[pl.ds(c * _L, _L)]
                for r in range(1, 16):
                    acc = acc + src_v[pl.ds(r * nb + c * _L, _L)]
                merged_v[pl.ds(c * _L, _L)] = acc

        merge16(hist_v)

        pltpu.sync_copy(merged_v, shared.at[pl.ds(sid * nb, nb)])
        plsc.subcore_barrier()

        @pl.when(sid == 0)
        def _():
            pltpu.sync_copy(shared, hist_v)
            merge16(hist_v)
            pltpu.sync_copy(merged_v, hist_out.at[cid])

    scratch = [
        pltpu.VMEM((_CH,), jnp.float32),
        pltpu.VMEM((_CH,), jnp.float32),
        pltpu.VMEM((_CH,), jnp.float32),
        pltpu.VMEM((_CH,), jnp.float32),
        pltpu.VMEM((16 * nb,), jnp.int32),
        pltpu.VMEM((nb,), jnp.int32),
    ]
    if match:
        scratch += [pltpu.VMEM((nb,), jnp.int32), pltpu.VMEM((nb,), jnp.int32)]
    scratch += [
        pltpu.VMEM_SHARED((16 * nb,), jnp.int32),
        pltpu.SemaphoreType.DMA,
        pltpu.SemaphoreType.DMA,
    ]
    return functools.partial(
        pl.kernel,
        mesh=mesh,
        compiler_params=pltpu.CompilerParams(needs_layout_passes=False),
        out_type=jax.ShapeDtypeStruct((2, nb), jnp.int32),
        scratch_types=scratch,
    )(body)


_sc_pass1 = _make_sc_pass(20, 12, False)
_sc_pass2 = _make_sc_pass(8, 12, True)


def _pick(hist2, kk):
    h = hist2[0] + hist2[1]
    cum = jnp.cumsum(h)
    b = jnp.argmax(cum >= kk).astype(jnp.int32)
    below = cum[b] - h[b]
    return b, below


def kernel(output, target):
    h1 = _sc_pass1(output, target)
    h2 = _sc_pass2(output, target, h1)

    b1, below1 = _pick(h1, jnp.int32(_K))
    kk2 = jnp.int32(_K) - below1
    b2, _ = _pick(h2, kk2)

    u_tau = (b1 << 20) | (b2 << 8)
    tau_key = u_tau ^ jnp.int32(-2147483648)

    s, cnt = _tail_pass(output, target, tau_key.reshape(1, 1))

    uu = tau_key ^ ((tau_key >> 31) & jnp.int32(0x7FFFFFFF))
    tau_f = lax.bitcast_convert_type(uu, jnp.float32)
    sp_tau = jnp.log(jnp.exp(tau_f) + 1.0)

    total = s[0, 0] + (jnp.float32(_K) - cnt[0, 0].astype(jnp.float32)) * sp_tau
    return total / jnp.float32(_N)

# --- scband reference (transcript-rebuilt; emitter-appended) ---
"""Pipeline reference for scband-sovrloss-70111046140559 (READ-ONLY COPY).

The authoritative reference and input builder live on the scoring server;
editing this copy changes nothing except your own understanding.
"""

import jax, jax.numpy as jnp
import numpy as np

N = 4194304
LOSS_SCALE1 = 1
LOSS_SCALE2 = 50

def setup_inputs(seed: int = 0) -> dict:
    key = jax.random.key(seed)
    k1, k2 = jax.random.split(key)
    output = jax.random.normal(k1, (N,), dtype=jnp.float32)
    target = jax.random.normal(k2, (N,), dtype=jnp.float32)
    return {"output": output, "target": target}

def reference(output, target):
    outputLen = output.shape[0]
    t = output * target
    k = int(outputLen * LOSS_SCALE2 * 0.01)
    sum_loss2 = jnp.float32(0.0)
    mask = jnp.ones_like(t)
    if k != 0:
        # torch.topk(t, k, largest=False) == smallest k values of t.
        neg_values, indices = jax.lax.top_k(-t, k)
        values = -neg_values
        loss2 = 2.0 * jnp.log(jnp.exp(values) + 1.0) - values
        sum_loss2 = jnp.sum(loss2)
        mask = mask.at[indices].set(0.0)
    loss1 = jnp.log(jnp.exp(-t) + 1.0)
    loss1 = loss1 * mask
    res = (jnp.sum(loss1) + LOSS_SCALE1 * sum_loss2) / outputLen
    return res

if __name__ == "__main__":
    import jax
    _d = setup_inputs()
    print(jax.jit(kernel)(*tuple(_d.values())))

</pallas_src>

<mosaic_0001>
#map = affine_map<(d0, d1) -> (0)>
#map1 = affine_map<(d0, d1) -> (0, 0)>
module attributes {stable_mosaic.version = 14 : i64} {
  func.func @body(%arg0: i32, %arg1: i32, %arg2: memref<4194304xf32, #tpu.memory_space<hbm>>, %arg3: memref<4194304xf32, #tpu.memory_space<hbm>>, %arg4: memref<2x4096xi32, #tpu.memory_space<hbm>>, %arg5: memref<2x4096xi32, #tpu.memory_space<hbm>>, %arg6: memref<8192xf32, #tpu.memory_space<vmem>>, %arg7: memref<8192xf32, #tpu.memory_space<vmem>>, %arg8: memref<8192xf32, #tpu.memory_space<vmem>>, %arg9: memref<8192xf32, #tpu.memory_space<vmem>>, %arg10: memref<65536xi32, #tpu.memory_space<vmem>>, %arg11: memref<4096xi32, #tpu.memory_space<vmem>>, %arg12: memref<4096xi32, #tpu.memory_space<vmem>>, %arg13: memref<4096xi32, #tpu.memory_space<vmem>>, %arg14: memref<65536xi32, #tpu.memory_space<vmem_shared>>, %arg15: memref<!tpu.dma_semaphore, #tpu.memory_space<semaphore_mem>>, %arg16: memref<!tpu.dma_semaphore, #tpu.memory_space<semaphore_mem>>) attributes {dimension_semantics = [#tpu.dimension_semantics<core_parallel>, #tpu.dimension_semantics<subcore_parallel>], iteration_bounds = array<i64: 2, 16>, scalar_prefetch = 0 : i64, scratch_operands = 11 : i64, tpu.core_type = #tpu.core_type<sc_vector_subcore>, window_params = [{transform_indices = #map}, {transform_indices = #map}, {transform_indices = #map1}, {transform_indices = #map1}]} {
    %mul3A = arith.constant 16 : i32
    %mul3A_0 = arith.muli %arg0, %mul3A : i32
    %add3A = arith.addi %mul3A_0, %arg1 : i32
    %mul3A_1 = arith.constant 131072 : i32
    %mul3A_2 = arith.muli %add3A, %mul3A_1 : i32
    %run_scoped3A = arith.constant 0 : i32
    "tpu.region"() ({
      %run_scoped3A_33 = tpu.sem_alloc : memref<!tpu.dma_semaphore, #tpu.memory_space<semaphore_mem>>
      %dma_start3A_34 = arith.constant 0 : i32
      %dma_start3A_35 = tpu.memref_slice %arg4[%run_scoped3A, %dma_start3A_34] : memref<2x4096xi32, #tpu.memory_space<hbm>> -> memref<1x4096xi32, #tpu.memory_space<hbm>>
      %dma_start3A_36 = tpu.memref_squeeze %dma_start3A_35 : memref<1x4096xi32, #tpu.memory_space<hbm>> -> memref<4096xi32, #tpu.memory_space<hbm>>
      %dma_start3A_37 = arith.constant 0 : i32
      %dma_start3A_38 = tpu.memref_slice %arg4[%run_scoped3A, %dma_start3A_37] : memref<2x4096xi32, #tpu.memory_space<hbm>> -> memref<1x4096xi32, #tpu.memory_space<hbm>>
      %dma_start3A_39 = tpu.memref_squeeze %dma_start3A_38 : memref<1x4096xi32, #tpu.memory_space<hbm>> -> memref<4096xi32, #tpu.memory_space<hbm>>
      tpu.enqueue_dma source(%dma_start3A_39 : memref<4096xi32, #tpu.memory_space<hbm>>) target(%arg12 : memref<4096xi32, #tpu.memory_space<vmem>>) target_semaphore(%run_scoped3A_33 : memref<!tpu.dma_semaphore, #tpu.memory_space<semaphore_mem>>)
      %dma_wait3A = arith.constant 0 : i32
      %dma_wait3A_40 = tpu.memref_slice %arg4[%run_scoped3A, %dma_wait3A] : memref<2x4096xi32, #tpu.memory_space<hbm>> -> memref<1x4096xi32, #tpu.memory_space<hbm>>
      %dma_wait3A_41 = tpu.memref_squeeze %dma_wait3A_40 : memref<1x4096xi32, #tpu.memory_space<hbm>> -> memref<4096xi32, #tpu.memory_space<hbm>>
      %dma_wait3A_42 = arith.constant 0 : i32
      %dma_wait3A_43 = tpu.memref_slice %arg4[%run_scoped3A, %dma_wait3A_42] : memref<2x4096xi32, #tpu.memory_space<hbm>> -> memref<1x4096xi32, #tpu.memory_space<hbm>>
      %dma_wait3A_44 = tpu.memref_squeeze %dma_wait3A_43 : memref<1x4096xi32, #tpu.memory_space<hbm>> -> memref<4096xi32, #tpu.memory_space<hbm>>
      tpu.wait_dma2 semaphore(%run_scoped3A_33 : memref<!tpu.dma_semaphore, #tpu.memory_space<semaphore_mem>>) src(%dma_wait3A_44 : memref<4096xi32, #tpu.memory_space<hbm>>) dst(%arg12 : memref<4096xi32, #tpu.memory_space<vmem>>)
      tpu.yield
    }) : () -> ()
    %run_scoped3A_3 = arith.constant 1 : i32
    "tpu.region"() ({
      %run_scoped3A_33 = tpu.sem_alloc : memref<!tpu.dma_semaphore, #tpu.memory_space<semaphore_mem>>
      %dma_start3A_34 = arith.constant 0 : i32
      %dma_start3A_35 = tpu.memref_slice %arg4[%run_scoped3A_3, %dma_start3A_34] : memref<2x4096xi32, #tpu.memory_space<hbm>> -> memref<1x4096xi32, #tpu.memory_space<hbm>>
      %dma_start3A_36 = tpu.memref_squeeze %dma_start3A_35 : memref<1x4096xi32, #tpu.memory_space<hbm>> -> memref<4096xi32, #tpu.memory_space<hbm>>
      %dma_start3A_37 = arith.constant 0 : i32
      %dma_start3A_38 = tpu.memref_slice %arg4[%run_scoped3A_3, %dma_start3A_37] : memref<2x4096xi32, #tpu.memory_space<hbm>> -> memref<1x4096xi32, #tpu.memory_space<hbm>>
      %dma_start3A_39 = tpu.memref_squeeze %dma_start3A_38 : memref<1x4096xi32, #tpu.memory_space<hbm>> -> memref<4096xi32, #tpu.memory_space<hbm>>
      tpu.enqueue_dma source(%dma_start3A_39 : memref<4096xi32, #tpu.memory_space<hbm>>) target(%arg13 : memref<4096xi32, #tpu.memory_space<vmem>>) target_semaphore(%run_scoped3A_33 : memref<!tpu.dma_semaphore, #tpu.memory_space<semaphore_mem>>)
      %dma_wait3A = arith.constant 0 : i32
      %dma_wait3A_40 = tpu.memref_slice %arg4[%run_scoped3A_3, %dma_wait3A] : memref<2x4096xi32, #tpu.memory_space<hbm>> -> memref<1x4096xi32, #tpu.memory_space<hbm>>
      %dma_wait3A_41 = tpu.memref_squeeze %dma_wait3A_40 : memref<1x4096xi32, #tpu.memory_space<hbm>> -> memref<4096xi32, #tpu.memory_space<hbm>>
      %dma_wait3A_42 = arith.constant 0 : i32
      %dma_wait3A_43 = tpu.memref_slice %arg4[%run_scoped3A_3, %dma_wait3A_42] : memref<2x4096xi32, #tpu.memory_space<hbm>> -> memref<1x4096xi32, #tpu.memory_space<hbm>>
      %dma_wait3A_44 = tpu.memref_squeeze %dma_wait3A_43 : memref<1x4096xi32, #tpu.memory_space<hbm>> -> memref<4096xi32, #tpu.memory_space<hbm>>
      tpu.wait_dma2 semaphore(%run_scoped3A_33 : memref<!tpu.dma_semaphore, #tpu.memory_space<semaphore_mem>>) src(%dma_wait3A_44 : memref<4096xi32, #tpu.memory_space<hbm>>) dst(%arg13 : memref<4096xi32, #tpu.memory_space<vmem>>)
      tpu.yield
    }) : () -> ()
    %broadcast_in_dim3A = arith.constant 0 : i32
    %broadcast_in_dim3A_4 = vector.broadcast %broadcast_in_dim3A : i32 to vector<16xi32>
    %scan3A = arith.constant 0 : i32
    %scan3A_5 = arith.constant 0 : i32
    %scan3A_6 = arith.constant 256 : i32
    %scan3A_7 = arith.addi %scan3A_5, %scan3A_6 : i32
    %scan3A_8 = arith.constant 1 : i32
    %scan3A_9:2 = scf.for %scan3A_33 = %scan3A_5 to %scan3A_7 step %scan3A_8 iter_args(%scan3A_34 = %scan3A, %scan3A_35 = %broadcast_in_dim3A_4) -> (i32, vector<16xi32>)  : i32 {
      %mul3A_36 = arith.constant 16 : i32
      %mul3A_37 = arith.muli %scan3A_33, %mul3A_36 : i32
      %get3A = arith.index_cast %mul3A_37 : i32 to index
      %get3A_38 = tpu.vector_load %arg12[%get3A] {strides = array<i32>} : memref<4096xi32, #tpu.memory_space<vmem>>, vector<16xi32>,
      %mul3A_39 = arith.constant 16 : i32
      %mul3A_40 = arith.muli %scan3A_33, %mul3A_39 : i32
      %get3A_41 = arith.index_cast %mul3A_40 : i32 to index
      %get3A_42 = tpu.vector_load %arg13[%get3A_41] {strides = array<i32>} : memref<4096xi32, #tpu.memory_space<vmem>>, vector<16xi32>,
      %add3A_43 = arith.addi %get3A_38, %get3A_42 : vector<16xi32>
      %broadcast_in_dim3A_44 = arith.constant true
      %broadcast_in_dim3A_45 = vector.broadcast %broadcast_in_dim3A_44 : i1 to vector<16xi1>
      %masked_cumsum3A = tpu.scan <sum>, %add3A_43 masked %broadcast_in_dim3A_45 : vector<16xi32>, vector<16xi1> -> vector<16xi32>
      %add3A_46 = vector.broadcast %scan3A_34 : i32 to vector<16xi32>
      %add3A_47 = arith.addi %masked_cumsum3A, %add3A_46 : vector<16xi32>
      %lt3A = arith.constant 2097152 : i32
      %lt3A_48 = vector.broadcast %lt3A : i32 to vector<16xi32>
      %lt3A_49 = arith.cmpi slt, %add3A_47, %lt3A_48 : vector<16xi32>
      %all_reduce_population_count3A = tpu.all_reduce %lt3A_49 {dim = 0 : i64, kind = #tpu.reduction_kind<sum>} : vector<16xi1> -> vector<16xi32>
      %add3A_50 = arith.addi %scan3A_35, %all_reduce_population_count3A : vector<16xi32>
      %reduce_sum3A = arith.constant true
      %reduce_sum3A_51 = vector.broadcast %reduce_sum3A : i1 to vector<16xi1>
      %reduce_sum3A_52 = tpu.scan <sum>, %add3A_43 masked %reduce_sum3A_51 : vector<16xi32>, vector<16xi1> -> vector<16xi32>
      %reduce_sum3A_53 = vector.extract %reduce_sum3A_52[15] : i32 from vector<16xi32>
      %add3A_54 = arith.addi %scan3A_34, %reduce_sum3A_53 : i32
      scf.yield %add3A_54, %add3A_50 : i32, vector<16xi32>
    }
    %scan3A_10 = arith.constant 256 : i32
    %iota3A = tpu.iota {dimensions = array<i32: 0>} : vector<16xi32>
    %mul3A_11 = arith.constant 4096 : i32
    %mul3A_12 = vector.broadcast %mul3A_11 : i32 to vector<16xi32>
    %mul3A_13 = arith.muli %iota3A, %mul3A_12 : vector<16xi32>
    %broadcast_in_dim3A_14 = arith.constant 1 : i32
    %broadcast_in_dim3A_15 = vector.broadcast %broadcast_in_dim3A_14 : i32 to vector<16xi32>
    %add3A_16 = arith.constant 0 : i32
    %add3A_17 = arith.addi %mul3A_2, %add3A_16 : i32
    %dma_start3A = tpu.memref_slice %arg2[%add3A_17] : memref<4194304xf32, #tpu.memory_space<hbm>> -> memref<8192xf32, #tpu.memory_space<hbm>>
    %dma_start3A_18 = tpu.memref_slice %arg2[%add3A_17] : memref<4194304xf32, #tpu.memory_space<hbm>> -> memref<8192xf32, #tpu.memory_space<hbm>>
    tpu.enqueue_dma source(%dma_start3A_18 : memref<8192xf32, #tpu.memory_space<hbm>>) target(%arg6 : memref<8192xf32, #tpu.memory_space<vmem>>) target_semaphore(%arg15 : memref<!tpu.dma_semaphore, #tpu.memory_space<semaphore_mem>>)
    %add3A_19 = arith.constant 0 : i32
    %add3A_20 = arith.addi %mul3A_2, %add3A_19 : i32
    %dma_start3A_21 = tpu.memref_slice %arg3[%add3A_20] : memref<4194304xf32, #tpu.memory_space<hbm>> -> memref<8192xf32, #tpu.memory_space<hbm>>
    %dma_start3A_22 = tpu.memref_slice %arg3[%add3A_20] : memref<4194304xf32, #tpu.memory_space<hbm>> -> memref<8192xf32, #tpu.memory_space<hbm>>
    tpu.enqueue_dma source(%dma_start3A_22 : memref<8192xf32, #tpu.memory_space<hbm>>) target(%arg7 : memref<8192xf32, #tpu.memory_space<vmem>>) target_semaphore(%arg15 : memref<!tpu.dma_semaphore, #tpu.memory_space<semaphore_mem>>)
    %scan3A_23 = arith.constant 0 : i32
    %scan3A_24 = arith.constant 0 : i32
    %scan3A_25 = arith.constant 8 : i32
    %scan3A_26 = arith.addi %scan3A_24, %scan3A_25 : i32
    %scan3A_27 = arith.constant 1 : i32
    scf.for %scan3A_33 = %scan3A_24 to %scan3A_26 step %scan3A_27  : i32 {
      %mul3A_34 = arith.constant 2 : i32
      %mul3A_35 = arith.muli %mul3A_34, %scan3A_33 : i32
      %add3A_36 = arith.constant 1 : i32
      %add3A_37 = arith.addi %mul3A_35, %add3A_36 : i32
      %mul3A_38 = arith.constant 8192 : i32
      %mul3A_39 = arith.muli %add3A_37, %mul3A_38 : i32
      %add3A_40 = arith.addi %mul3A_2, %mul3A_39 : i32
      %dma_start3A_41 = tpu.memref_slice %arg2[%add3A_40] : memref<4194304xf32, #tpu.memory_space<hbm>> -> memref<8192xf32, #tpu.memory_space<hbm>>
      %dma_start3A_42 = tpu.memref_slice %arg2[%add3A_40] : memref<4194304xf32, #tpu.memory_space<hbm>> -> memref<8192xf32, #tpu.memory_space<hbm>>
      tpu.enqueue_dma source(%dma_start3A_42 : memref<8192xf32, #tpu.memory_space<hbm>>) target(%arg8 : memref<8192xf32, #tpu.memory_space<vmem>>) target_semaphore(%arg16 : memref<!tpu.dma_semaphore, #tpu.memory_space<semaphore_mem>>)
      %mul3A_43 = arith.constant 8192 : i32
      %mul3A_44 = arith.muli %add3A_37, %mul3A_43 : i32
      %add3A_45 = arith.addi %mul3A_2, %mul3A_44 : i32
      %dma_start3A_46 = tpu.memref_slice %arg3[%add3A_45] : memref<4194304xf32, #tpu.memory_space<hbm>> -> memref<8192xf32, #tpu.memory_space<hbm>>
      %dma_start3A_47 = tpu.memref_slice %arg3[%add3A_45] : memref<4194304xf32, #tpu.memory_space<hbm>> -> memref<8192xf32, #tpu.memory_space<hbm>>
      tpu.enqueue_dma source(%dma_start3A_47 : memref<8192xf32, #tpu.memory_space<hbm>>) target(%arg9 : memref<8192xf32, #tpu.memory_space<vmem>>) target_semaphore(%arg16 : memref<!tpu.dma_semaphore, #tpu.memory_space<semaphore_mem>>)
      %dma_wait3A = arith.constant 0 : i32
      %dma_wait3A_48 = tpu.memref_slice %arg2[%dma_wait3A] : memref<4194304xf32, #tpu.memory_space<hbm>> -> memref<8192xf32, #tpu.memory_space<hbm>>
      %dma_wait3A_49 = arith.constant 0 : i32
      %dma_wait3A_50 = tpu.memref_slice %arg2[%dma_wait3A_49] : memref<4194304xf32, #tpu.memory_space<hbm>> -> memref<8192xf32, #tpu.memory_space<hbm>>
      tpu.wait_dma2 semaphore(%arg15 : memref<!tpu.dma_semaphore, #tpu.memory_space<semaphore_mem>>) src(%dma_wait3A_50 : memref<8192xf32, #tpu.memory_space<hbm>>) dst(%arg6 : memref<8192xf32, #tpu.memory_space<vmem>>)
      %dma_wait3A_51 = arith.constant 0 : i32
      %dma_wait3A_52 = tpu.memref_slice %arg2[%dma_wait3A_51] : memref<4194304xf32, #tpu.memory_space<hbm>> -> memref<8192xf32, #tpu.memory_space<hbm>>
      %dma_wait3A_53 = arith.constant 0 : i32
      %dma_wait3A_54 = tpu.memref_slice %arg2[%dma_wait3A_53] : memref<4194304xf32, #tpu.memory_space<hbm>> -> memref<8192xf32, #tpu.memory_space<hbm>>
      tpu.wait_dma2 semaphore(%arg15 : memref<!tpu.dma_semaphore, #tpu.memory_space<semaphore_mem>>) src(%dma_wait3A_54 : memref<8192xf32, #tpu.memory_space<hbm>>) dst(%arg7 : memref<8192xf32, #tpu.memory_space<vmem>>)
      %add3A_55 = arith.constant 2 : i32
      %add3A_56 = arith.addi %mul3A_35, %add3A_55 : i32
      %lt3A = arith.constant 16 : i32
      %lt3A_57 = arith.cmpi slt, %add3A_56, %lt3A : i32
      %convert_element_type3A_58 = arith.extui %lt3A_57 : i1 to i32
      %cond3A_59 = arith.constant 0 : i32
      %cond3A_60 = arith.cmpi ne, %convert_element_type3A_58, %cond3A_59 : i32
      scf.if %cond3A_60 {
        %add3A_69 = arith.constant 2 : i32
        %add3A_70 = arith.addi %mul3A_35, %add3A_69 : i32
        %mul3A_71 = arith.constant 8192 : i32
        %mul3A_72 = arith.muli %add3A_70, %mul3A_71 : i32
        %add3A_73 = arith.addi %mul3A_2, %mul3A_72 : i32
        %dma_start3A_74 = tpu.memref_slice %arg2[%add3A_73] : memref<4194304xf32, #tpu.memory_space<hbm>> -> memref<8192xf32, #tpu.memory_space<hbm>>
        %dma_start3A_75 = tpu.memref_slice %arg2[%add3A_73] : memref<4194304xf32, #tpu.memory_space<hbm>> -> memref<8192xf32, #tpu.memory_space<hbm>>
        tpu.enqueue_dma source(%dma_start3A_75 : memref<8192xf32, #tpu.memory_space<hbm>>) target(%arg6 : memref<8192xf32, #tpu.memory_space<vmem>>) target_semaphore(%arg15 : memref<!tpu.dma_semaphore, #tpu.memory_space<semaphore_mem>>)
        %mul3A_76 = arith.constant 8192 : i32
        %mul3A_77 = arith.muli %add3A_70, %mul3A_76 : i32
        %add3A_78 = arith.addi %mul3A_2, %mul3A_77 : i32
        %dma_start3A_79 = tpu.memref_slice %arg3[%add3A_78] : memref<4194304xf32, #tpu.memory_space<hbm>> -> memref<8192xf32, #tpu.memory_space<hbm>>
        %dma_start3A_80 = tpu.memref_slice %arg3[%add3A_78] : memref<4194304xf32, #tpu.memory_space<hbm>> -> memref<8192xf32, #tpu.memory_space<hbm>>
        tpu.enqueue_dma source(%dma_start3A_80 : memref<8192xf32, #tpu.memory_space<hbm>>) target(%arg7 : memref<8192xf32, #tpu.memory_space<vmem>>) target_semaphore(%arg15 : memref<!tpu.dma_semaphore, #tpu.memory_space<semaphore_mem>>)
      } else {
      }
      %dma_wait3A_61 = arith.constant 0 : i32
      %dma_wait3A_62 = tpu.memref_slice %arg2[%dma_wait3A_61] : memref<4194304xf32, #tpu.memory_space<hbm>> -> memref<8192xf32, #tpu.memory_space<hbm>>
      %dma_wait3A_63 = arith.constant 0 : i32
      %dma_wait3A_64 = tpu.memref_slice %arg2[%dma_wait3A_63] : memref<4194304xf32, #tpu.memory_space<hbm>> -> memref<8192xf32, #tpu.memory_space<hbm>>
      tpu.wait_dma2 semaphore(%arg16 : memref<!tpu.dma_semaphore, #tpu.memory_space<semaphore_mem>>) src(%dma_wait3A_64 : memref<8192xf32, #tpu.memory_space<hbm>>) dst(%arg8 : memref<8192xf32, #tpu.memory_space<vmem>>)
      %dma_wait3A_65 = arith.constant 0 : i32
      %dma_wait3A_66 = tpu.memref_slice %arg2[%dma_wait3A_65] : memref<4194304xf32, #tpu.memory_space<hbm>> -> memref<8192xf32, #tpu.memory_space<hbm>>
      %dma_wait3A_67 = arith.constant 0 : i32
      %dma_wait3A_68 = tpu.memref_slice %arg2[%dma_wait3A_67] : memref<4194304xf32, #tpu.memory_space<hbm>> -> memref<8192xf32, #tpu.memory_space<hbm>>
      tpu.wait_dma2 semaphore(%arg16 : memref<!tpu.dma_semaphore, #tpu.memory_space<semaphore_mem>>) src(%dma_wait3A_68 : memref<8192xf32, #tpu.memory_space<hbm>>) dst(%arg9 : memref<8192xf32, #tpu.memory_space<vmem>>)
    }
    %scan3A_28 = arith.constant 8 : i32
    %mul3A_29 = arith.constant 4096 : i32
    %mul3A_30 = arith.muli %arg1, %mul3A_29 : i32
    "tpu.region"() ({
      %run_scoped3A_33 = tpu.sem_alloc : memref<!tpu.dma_semaphore, #tpu.memory_space<semaphore_mem>>
      %dma_start3A_34 = tpu.memref_slice %arg14[%mul3A_30] : memref<65536xi32, #tpu.memory_space<vmem_shared>> -> memref<4096xi32, #tpu.memory_space<vmem_shared>>
      %dma_start3A_35 = tpu.memref_slice %arg14[%mul3A_30] : memref<65536xi32, #tpu.memory_space<vmem_shared>> -> memref<4096xi32, #tpu.memory_space<vmem_shared>>
      tpu.enqueue_dma source(%arg11 : memref<4096xi32, #tpu.memory_space<vmem>>) target(%dma_start3A_35 : memref<4096xi32, #tpu.memory_space<vmem_shared>>) target_semaphore(%run_scoped3A_33 : memref<!tpu.dma_semaphore, #tpu.memory_space<semaphore_mem>>)
      %dma_wait3A = tpu.memref_slice %arg14[%mul3A_30] : memref<65536xi32, #tpu.memory_space<vmem_shared>> -> memref<4096xi32, #tpu.memory_space<vmem_shared>>
      %dma_wait3A_36 = tpu.memref_slice %arg14[%mul3A_30] : memref<65536xi32, #tpu.memory_space<vmem_shared>> -> memref<4096xi32, #tpu.memory_space<vmem_shared>>
      tpu.wait_dma2 semaphore(%run_scoped3A_33 : memref<!tpu.dma_semaphore, #tpu.memory_space<semaphore_mem>>) src(%arg11 : memref<4096xi32, #tpu.memory_space<vmem>>) dst(%dma_wait3A_36 : memref<4096xi32, #tpu.memory_space<vmem_shared>>)
      tpu.yield
    }) : () -> ()
    %barrier3A = arith.constant 0 : index
    tpu.barrier barrier_id(%barrier3A)
    %eq3A = arith.constant 0 : i32
    %eq3A_31 = arith.cmpi eq, %arg1, %eq3A : i32
    %convert_element_type3A = arith.extui %eq3A_31 : i1 to i32
    %cond3A = arith.constant 0 : i32
    %cond3A_32 = arith.cmpi ne, %convert_element_type3A, %cond3A : i32
    scf.if %cond3A_32 {
      "tpu.region"() ({
        %run_scoped3A_33 = tpu.sem_alloc : memref<!tpu.dma_semaphore, #tpu.memory_space<semaphore_mem>>
        tpu.enqueue_dma source(%arg14 : memref<65536xi32, #tpu.memory_space<vmem_shared>>) target(%arg10 : memref<65536xi32, #tpu.memory_space<vmem>>) target_semaphore(%run_scoped3A_33 : memref<!tpu.dma_semaphore, #tpu.memory_space<semaphore_mem>>)
        tpu.wait_dma2 semaphore(%run_scoped3A_33 : memref<!tpu.dma_semaphore, #tpu.memory_space<semaphore_mem>>) src(%arg14 : memref<65536xi32, #tpu.memory_space<vmem_shared>>) dst(%arg10 : memref<65536xi32, #tpu.memory_space<vmem>>)
        tpu.yield
      }) : () -> ()
      "tpu.region"() ({
        %run_scoped3A_33 = tpu.sem_alloc : memref<!tpu.dma_semaphore, #tpu.memory_space<semaphore_mem>>
        %dma_start3A_34 = arith.constant 0 : i32
        %dma_start3A_35 = tpu.memref_slice %arg5[%arg0, %dma_start3A_34] : memref<2x4096xi32, #tpu.memory_space<hbm>> -> memref<1x4096xi32, #tpu.memory_space<hbm>>
        %dma_start3A_36 = tpu.memref_squeeze %dma_start3A_35 : memref<1x4096xi32, #tpu.memory_space<hbm>> -> memref<4096xi32, #tpu.memory_space<hbm>>
        %dma_start3A_37 = arith.constant 0 : i32
        %dma_start3A_38 = tpu.memref_slice %arg5[%arg0, %dma_start3A_37] : memref<2x4096xi32, #tpu.memory_space<hbm>> -> memref<1x4096xi32, #tpu.memory_space<hbm>>
        %dma_start3A_39 = tpu.memref_squeeze %dma_start3A_38 : memref<1x4096xi32, #tpu.memory_space<hbm>> -> memref<4096xi32, #tpu.memory_space<hbm>>
        tpu.enqueue_dma source(%arg11 : memref<4096xi32, #tpu.memory_space<vmem>>) target(%dma_start3A_39 : memref<4096xi32, #tpu.memory_space<hbm>>) target_semaphore(%run_scoped3A_33 : memref<!tpu.dma_semaphore, #tpu.memory_space<semaphore_mem>>)
        %dma_wait3A = arith.constant 0 : i32
        %dma_wait3A_40 = tpu.memref_slice %arg5[%arg0, %dma_wait3A] : memref<2x4096xi32, #tpu.memory_space<hbm>> -> memref<1x4096xi32, #tpu.memory_space<hbm>>
        %dma_wait3A_41 = tpu.memref_squeeze %dma_wait3A_40 : memref<1x4096xi32, #tpu.memory_space<hbm>> -> memref<4096xi32, #tpu.memory_space<hbm>>
        %dma_wait3A_42 = arith.constant 0 : i32
        %dma_wait3A_43 = tpu.memref_slice %arg5[%arg0, %dma_wait3A_42] : memref<2x4096xi32, #tpu.memory_space<hbm>> -> memref<1x4096xi32, #tpu.memory_space<hbm>>
        %dma_wait3A_44 = tpu.memref_squeeze %dma_wait3A_43 : memref<1x4096xi32, #tpu.memory_space<hbm>> -> memref<4096xi32, #tpu.memory_space<hbm>>
        tpu.wait_dma2 semaphore(%run_scoped3A_33 : memref<!tpu.dma_semaphore, #tpu.memory_space<semaphore_mem>>) src(%arg11 : memref<4096xi32, #tpu.memory_space<vmem>>) dst(%dma_wait3A_44 : memref<4096xi32, #tpu.memory_space<hbm>>)
        tpu.yield
      }) : () -> ()
    } else {
    }
    return
  }
}

#map = affine_map<(d0, d1) -> (0)>
#map1 = affine_map<(d0, d1) -> (0, 0)>
module attributes {stable_mosaic.version = 14 : i64} {
  func.func @body(%arg0: i32, %arg1: i32, %arg2: memref<4194304xf32, #tpu.memory_space<hbm>>, %arg3: memref<4194304xf32, #tpu.memory_space<hbm>>, %arg4: memref<2x4096xi32, #tpu.memory_space<hbm>>, %arg5: memref<8192xf32, #tpu.memory_space<vmem>>, %arg6: memref<8192xf32, #tpu.memory_space<vmem>>, %arg7: memref<8192xf32, #tpu.memory_space<vmem>>, %arg8: memref<8192xf32, #tpu.memory_space<vmem>>, %arg9: memref<65536xi32, #tpu.memory_space<vmem>>, %arg10: memref<4096xi32, #tpu.memory_space<vmem>>, %arg11: memref<65536xi32, #tpu.memory_space<vmem_shared>>, %arg12: memref<!tpu.dma_semaphore, #tpu.memory_space<semaphore_mem>>, %arg13: memref<!tpu.dma_semaphore, #tpu.memory_space<semaphore_mem>>) attributes {dimension_semantics = [#tpu.dimension_semantics<core_parallel>, #tpu.dimension_semantics<subcore_parallel>], iteration_bounds = array<i64: 2, 16>, scalar_prefetch = 0 : i64, scratch_operands = 9 : i64, tpu.core_type = #tpu.core_type<sc_vector_subcore>, window_params = [{transform_indices = #map}, {transform_indices = #map}, {transform_indices = #map1}]} {
    %mul3A = arith.constant 16 : i32
    %mul3A_0 = arith.muli %arg0, %mul3A : i32
    %add3A = arith.addi %mul3A_0, %arg1 : i32
    %mul3A_1 = arith.constant 131072 : i32
    %mul3A_2 = arith.muli %add3A, %mul3A_1 : i32
    %iota3A = tpu.iota {dimensions = array<i32: 0>} : vector<16xi32>
    %mul3A_3 = arith.constant 4096 : i32
    %mul3A_4 = vector.broadcast %mul3A_3 : i32 to vector<16xi32>
    %mul3A_5 = arith.muli %iota3A, %mul3A_4 : vector<16xi32>
    %broadcast_in_dim3A = arith.constant 1 : i32
    %broadcast_in_dim3A_6 = vector.broadcast %broadcast_in_dim3A : i32 to vector<16xi32>
    %add3A_7 = arith.constant 0 : i32
    %add3A_8 = arith.addi %mul3A_2, %add3A_7 : i32
    %dma_start3A = tpu.memref_slice %arg2[%add3A_8] : memref<4194304xf32, #tpu.memory_space<hbm>> -> memref<8192xf32, #tpu.memory_space<hbm>>
    %dma_start3A_9 = tpu.memref_slice %arg2[%add3A_8] : memref<4194304xf32, #tpu.memory_space<hbm>> -> memref<8192xf32, #tpu.memory_space<hbm>>
    tpu.enqueue_dma source(%dma_start3A_9 : memref<8192xf32, #tpu.memory_space<hbm>>) target(%arg5 : memref<8192xf32, #tpu.memory_space<vmem>>) target_semaphore(%arg12 : memref<!tpu.dma_semaphore, #tpu.memory_space<semaphore_mem>>)
    %add3A_10 = arith.constant 0 : i32
    %add3A_11 = arith.addi %mul3A_2, %add3A_10 : i32
    %dma_start3A_12 = tpu.memref_slice %arg3[%add3A_11] : memref<4194304xf32, #tpu.memory_space<hbm>> -> memref<8192xf32, #tpu.memory_space<hbm>>
    %dma_start3A_13 = tpu.memref_slice %arg3[%add3A_11] : memref<4194304xf32, #tpu.memory_space<hbm>> -> memref<8192xf32, #tpu.memory_space<hbm>>
    tpu.enqueue_dma source(%dma_start3A_13 : memref<8192xf32, #tpu.memory_space<hbm>>) target(%arg6 : memref<8192xf32, #tpu.memory_space<vmem>>) target_semaphore(%arg12 : memref<!tpu.dma_semaphore, #tpu.memory_space<semaphore_mem>>)
    %scan3A = arith.constant 0 : i32
    %scan3A_14 = arith.constant 0 : i32
    %scan3A_15 = arith.constant 8 : i32
    %scan3A_16 = arith.addi %scan3A_14, %scan3A_15 : i32
    %scan3A_17 = arith.constant 1 : i32
    scf.for %scan3A_23 = %scan3A_14 to %scan3A_16 step %scan3A_17  : i32 {
      %mul3A_24 = arith.constant 2 : i32
      %mul3A_25 = arith.muli %mul3A_24, %scan3A_23 : i32
      %add3A_26 = arith.constant 1 : i32
      %add3A_27 = arith.addi %mul3A_25, %add3A_26 : i32
      %mul3A_28 = arith.constant 8192 : i32
      %mul3A_29 = arith.muli %add3A_27, %mul3A_28 : i32
      %add3A_30 = arith.addi %mul3A_2, %mul3A_29 : i32
      %dma_start3A_31 = tpu.memref_slice %arg2[%add3A_30] : memref<4194304xf32, #tpu.memory_space<hbm>> -> memref<8192xf32, #tpu.memory_space<hbm>>
      %dma_start3A_32 = tpu.memref_slice %arg2[%add3A_30] : memref<4194304xf32, #tpu.memory_space<hbm>> -> memref<8192xf32, #tpu.memory_space<hbm>>
      tpu.enqueue_dma source(%dma_start3A_32 : memref<8192xf32, #tpu.memory_space<hbm>>) target(%arg7 : memref<8192xf32, #tpu.memory_space<vmem>>) target_semaphore(%arg13 : memref<!tpu.dma_semaphore, #tpu.memory_space<semaphore_mem>>)
      %mul3A_33 = arith.constant 8192 : i32
      %mul3A_34 = arith.muli %add3A_27, %mul3A_33 : i32
      %add3A_35 = arith.addi %mul3A_2, %mul3A_34 : i32
      %dma_start3A_36 = tpu.memref_slice %arg3[%add3A_35] : memref<4194304xf32, #tpu.memory_space<hbm>> -> memref<8192xf32, #tpu.memory_space<hbm>>
      %dma_start3A_37 = tpu.memref_slice %arg3[%add3A_35] : memref<4194304xf32, #tpu.memory_space<hbm>> -> memref<8192xf32, #tpu.memory_space<hbm>>
      tpu.enqueue_dma source(%dma_start3A_37 : memref<8192xf32, #tpu.memory_space<hbm>>) target(%arg8 : memref<8192xf32, #tpu.memory_space<vmem>>) target_semaphore(%arg13 : memref<!tpu.dma_semaphore, #tpu.memory_space<semaphore_mem>>)
      %dma_wait3A = arith.constant 0 : i32
      %dma_wait3A_38 = tpu.memref_slice %arg2[%dma_wait3A] : memref<4194304xf32, #tpu.memory_space<hbm>> -> memref<8192xf32, #tpu.memory_space<hbm>>
      %dma_wait3A_39 = arith.constant 0 : i32
      %dma_wait3A_40 = tpu.memref_slice %arg2[%dma_wait3A_39] : memref<4194304xf32, #tpu.memory_space<hbm>> -> memref<8192xf32, #tpu.memory_space<hbm>>
      tpu.wait_dma2 semaphore(%arg12 : memref<!tpu.dma_semaphore, #tpu.memory_space<semaphore_mem>>) src(%dma_wait3A_40 : memref<8192xf32, #tpu.memory_space<hbm>>) dst(%arg5 : memref<8192xf32, #tpu.memory_space<vmem>>)
      %dma_wait3A_41 = arith.constant 0 : i32
      %dma_wait3A_42 = tpu.memref_slice %arg2[%dma_wait3A_41] : memref<4194304xf32, #tpu.memory_space<hbm>> -> memref<8192xf32, #tpu.memory_space<hbm>>
      %dma_wait3A_43 = arith.constant 0 : i32
      %dma_wait3A_44 = tpu.memref_slice %arg2[%dma_wait3A_43] : memref<4194304xf32, #tpu.memory_space<hbm>> -> memref<8192xf32, #tpu.memory_space<hbm>>
      tpu.wait_dma2 semaphore(%arg12 : memref<!tpu.dma_semaphore, #tpu.memory_space<semaphore_mem>>) src(%dma_wait3A_44 : memref<8192xf32, #tpu.memory_space<hbm>>) dst(%arg6 : memref<8192xf32, #tpu.memory_space<vmem>>)
      %add3A_45 = arith.constant 2 : i32
      %add3A_46 = arith.addi %mul3A_25, %add3A_45 : i32
      %lt3A = arith.constant 16 : i32
      %lt3A_47 = arith.cmpi slt, %add3A_46, %lt3A : i32
      %convert_element_type3A_48 = arith.extui %lt3A_47 : i1 to i32
      %cond3A_49 = arith.constant 0 : i32
      %cond3A_50 = arith.cmpi ne, %convert_element_type3A_48, %cond3A_49 : i32
      scf.if %cond3A_50 {
        %add3A_59 = arith.constant 2 : i32
        %add3A_60 = arith.addi %mul3A_25, %add3A_59 : i32
        %mul3A_61 = arith.constant 8192 : i32
        %mul3A_62 = arith.muli %add3A_60, %mul3A_61 : i32
        %add3A_63 = arith.addi %mul3A_2, %mul3A_62 : i32
        %dma_start3A_64 = tpu.memref_slice %arg2[%add3A_63] : memref<4194304xf32, #tpu.memory_space<hbm>> -> memref<8192xf32, #tpu.memory_space<hbm>>
        %dma_start3A_65 = tpu.memref_slice %arg2[%add3A_63] : memref<4194304xf32, #tpu.memory_space<hbm>> -> memref<8192xf32, #tpu.memory_space<hbm>>
        tpu.enqueue_dma source(%dma_start3A_65 : memref<8192xf32, #tpu.memory_space<hbm>>) target(%arg5 : memref<8192xf32, #tpu.memory_space<vmem>>) target_semaphore(%arg12 : memref<!tpu.dma_semaphore, #tpu.memory_space<semaphore_mem>>)
        %mul3A_66 = arith.constant 8192 : i32
        %mul3A_67 = arith.muli %add3A_60, %mul3A_66 : i32
        %add3A_68 = arith.addi %mul3A_2, %mul3A_67 : i32
        %dma_start3A_69 = tpu.memref_slice %arg3[%add3A_68] : memref<4194304xf32, #tpu.memory_space<hbm>> -> memref<8192xf32, #tpu.memory_space<hbm>>
        %dma_start3A_70 = tpu.memref_slice %arg3[%add3A_68] : memref<4194304xf32, #tpu.memory_space<hbm>> -> memref<8192xf32, #tpu.memory_space<hbm>>
        tpu.enqueue_dma source(%dma_start3A_70 : memref<8192xf32, #tpu.memory_space<hbm>>) target(%arg6 : memref<8192xf32, #tpu.memory_space<vmem>>) target_semaphore(%arg12 : memref<!tpu.dma_semaphore, #tpu.memory_space<semaphore_mem>>)
      } else {
      }
      %dma_wait3A_51 = arith.constant 0 : i32
      %dma_wait3A_52 = tpu.memref_slice %arg2[%dma_wait3A_51] : memref<4194304xf32, #tpu.memory_space<hbm>> -> memref<8192xf32, #tpu.memory_space<hbm>>
      %dma_wait3A_53 = arith.constant 0 : i32
      %dma_wait3A_54 = tpu.memref_slice %arg2[%dma_wait3A_53] : memref<4194304xf32, #tpu.memory_space<hbm>> -> memref<8192xf32, #tpu.memory_space<hbm>>
      tpu.wait_dma2 semaphore(%arg13 : memref<!tpu.dma_semaphore, #tpu.memory_space<semaphore_mem>>) src(%dma_wait3A_54 : memref<8192xf32, #tpu.memory_space<hbm>>) dst(%arg7 : memref<8192xf32, #tpu.memory_space<vmem>>)
      %dma_wait3A_55 = arith.constant 0 : i32
      %dma_wait3A_56 = tpu.memref_slice %arg2[%dma_wait3A_55] : memref<4194304xf32, #tpu.memory_space<hbm>> -> memref<8192xf32, #tpu.memory_space<hbm>>
      %dma_wait3A_57 = arith.constant 0 : i32
      %dma_wait3A_58 = tpu.memref_slice %arg2[%dma_wait3A_57] : memref<4194304xf32, #tpu.memory_space<hbm>> -> memref<8192xf32, #tpu.memory_space<hbm>>
      tpu.wait_dma2 semaphore(%arg13 : memref<!tpu.dma_semaphore, #tpu.memory_space<semaphore_mem>>) src(%dma_wait3A_58 : memref<8192xf32, #tpu.memory_space<hbm>>) dst(%arg8 : memref<8192xf32, #tpu.memory_space<vmem>>)
    }
    %scan3A_18 = arith.constant 8 : i32
    %mul3A_19 = arith.constant 4096 : i32
    %mul3A_20 = arith.muli %arg1, %mul3A_19 : i32
    "tpu.region"() ({
      %run_scoped3A = tpu.sem_alloc : memref<!tpu.dma_semaphore, #tpu.memory_space<semaphore_mem>>
      %dma_start3A_23 = tpu.memref_slice %arg11[%mul3A_20] : memref<65536xi32, #tpu.memory_space<vmem_shared>> -> memref<4096xi32, #tpu.memory_space<vmem_shared>>
      %dma_start3A_24 = tpu.memref_slice %arg11[%mul3A_20] : memref<65536xi32, #tpu.memory_space<vmem_shared>> -> memref<4096xi32, #tpu.memory_space<vmem_shared>>
      tpu.enqueue_dma source(%arg10 : memref<4096xi32, #tpu.memory_space<vmem>>) target(%dma_start3A_24 : memref<4096xi32, #tpu.memory_space<vmem_shared>>) target_semaphore(%run_scoped3A : memref<!tpu.dma_semaphore, #tpu.memory_space<semaphore_mem>>)
      %dma_wait3A = tpu.memref_slice %arg11[%mul3A_20] : memref<65536xi32, #tpu.memory_space<vmem_shared>> -> memref<4096xi32, #tpu.memory_space<vmem_shared>>
      %dma_wait3A_25 = tpu.memref_slice %arg11[%mul3A_20] : memref<65536xi32, #tpu.memory_space<vmem_shared>> -> memref<4096xi32, #tpu.memory_space<vmem_shared>>
      tpu.wait_dma2 semaphore(%run_scoped3A : memref<!tpu.dma_semaphore, #tpu.memory_space<semaphore_mem>>) src(%arg10 : memref<4096xi32, #tpu.memory_space<vmem>>) dst(%dma_wait3A_25 : memref<4096xi32, #tpu.memory_space<vmem_shared>>)
      tpu.yield
    }) : () -> ()
    %barrier3A = arith.constant 0 : index
    tpu.barrier barrier_id(%barrier3A)
    %eq3A = arith.constant 0 : i32
    %eq3A_21 = arith.cmpi eq, %arg1, %eq3A : i32
    %convert_element_type3A = arith.extui %eq3A_21 : i1 to i32
    %cond3A = arith.constant 0 : i32
    %cond3A_22 = arith.cmpi ne, %convert_element_type3A, %cond3A : i32
    scf.if %cond3A_22 {
      "tpu.region"() ({
        %run_scoped3A = tpu.sem_alloc : memref<!tpu.dma_semaphore, #tpu.memory_space<semaphore_mem>>
        tpu.enqueue_dma source(%arg11 : memref<65536xi32, #tpu.memory_space<vmem_shared>>) target(%arg9 : memref<65536xi32, #tpu.memory_space<vmem>>) target_semaphore(%run_scoped3A : memref<!tpu.dma_semaphore, #tpu.memory_space<semaphore_mem>>)
        tpu.wait_dma2 semaphore(%run_scoped3A : memref<!tpu.dma_semaphore, #tpu.memory_space<semaphore_mem>>) src(%arg11 : memref<65536xi32, #tpu.memory_space<vmem_shared>>) dst(%arg9 : memref<65536xi32, #tpu.memory_space<vmem>>)
        tpu.yield
      }) : () -> ()
      "tpu.region"() ({
        %run_scoped3A = tpu.sem_alloc : memref<!tpu.dma_semaphore, #tpu.memory_space<semaphore_mem>>
        %dma_start3A_23 = arith.constant 0 : i32
        %dma_start3A_24 = tpu.memref_slice %arg4[%arg0, %dma_start3A_23] : memref<2x4096xi32, #tpu.memory_space<hbm>> -> memref<1x4096xi32, #tpu.memory_space<hbm>>
        %dma_start3A_25 = tpu.memref_squeeze %dma_start3A_24 : memref<1x4096xi32, #tpu.memory_space<hbm>> -> memref<4096xi32, #tpu.memory_space<hbm>>
        %dma_start3A_26 = arith.constant 0 : i32
        %dma_start3A_27 = tpu.memref_slice %arg4[%arg0, %dma_start3A_26] : memref<2x4096xi32, #tpu.memory_space<hbm>> -> memref<1x4096xi32, #tpu.memory_space<hbm>>
        %dma_start3A_28 = tpu.memref_squeeze %dma_start3A_27 : memref<1x4096xi32, #tpu.memory_space<hbm>> -> memref<4096xi32, #tpu.memory_space<hbm>>
        tpu.enqueue_dma source(%arg10 : memref<4096xi32, #tpu.memory_space<vmem>>) target(%dma_start3A_28 : memref<4096xi32, #tpu.memory_space<hbm>>) target_semaphore(%run_scoped3A : memref<!tpu.dma_semaphore, #tpu.memory_space<semaphore_mem>>)
        %dma_wait3A = arith.constant 0 : i32
        %dma_wait3A_29 = tpu.memref_slice %arg4[%arg0, %dma_wait3A] : memref<2x4096xi32, #tpu.memory_space<hbm>> -> memref<1x4096xi32, #tpu.memory_space<hbm>>
        %dma_wait3A_30 = tpu.memref_squeeze %dma_wait3A_29 : memref<1x4096xi32, #tpu.memory_space<hbm>> -> memref<4096xi32, #tpu.memory_space<hbm>>
        %dma_wait3A_31 = arith.constant 0 : i32
        %dma_wait3A_32 = tpu.memref_slice %arg4[%arg0, %dma_wait3A_31] : memref<2x4096xi32, #tpu.memory_space<hbm>> -> memref<1x4096xi32, #tpu.memory_space<hbm>>
        %dma_wait3A_33 = tpu.memref_squeeze %dma_wait3A_32 : memref<1x4096xi32, #tpu.memory_space<hbm>> -> memref<4096xi32, #tpu.memory_space<hbm>>
        tpu.wait_dma2 semaphore(%run_scoped3A : memref<!tpu.dma_semaphore, #tpu.memory_space<semaphore_mem>>) src(%arg10 : memref<4096xi32, #tpu.memory_space<vmem>>) dst(%dma_wait3A_33 : memref<4096xi32, #tpu.memory_space<hbm>>)
        tpu.yield
      }) : () -> ()
    } else {
    }
    return
  }
}

module attributes {stable_mosaic.version = 14 : i64} {
  func.func @_tail_body(%arg0: i32, %arg1: memref<131072xf32, #tpu.memory_space<vmem>>, %arg2: memref<131072xf32, #tpu.memory_space<vmem>>, %arg3: memref<1x1xi32, #tpu.memory_space<smem>>, %arg4: memref<1x1xf32, #tpu.memory_space<smem>>, %arg5: memref<1x1xi32, #tpu.memory_space<smem>>, %arg6: memref<1x1xf32, #tpu.memory_space<smem>>, %arg7: memref<1x1xi32, #tpu.memory_space<smem>>) attributes {dimension_semantics = [#tpu.dimension_semantics<arbitrary>], iteration_bounds = array<i64: 32>, scalar_prefetch = 0 : i64, scratch_operands = 2 : i64, tpu.core_type = #tpu.core_type<tc>, window_params = [{transform_indices = @transform_0, window_bounds = array<i64: 131072>}, {transform_indices = @transform_1, window_bounds = array<i64: 131072>}, {transform_indices = @transform_2, window_bounds = array<i64: 1, 1>}, {transform_indices = @transform_3, window_bounds = array<i64: 1, 1>}, {transform_indices = @transform_4, window_bounds = array<i64: 1, 1>}]} {
    %get3A = arith.constant 0 : index
    %get3A_0 = vector.load %arg1[%get3A] : memref<131072xf32, #tpu.memory_space<vmem>>, vector<131072xf32>
    %get3A_1 = arith.constant 0 : index
    %get3A_2 = vector.load %arg2[%get3A_1] : memref<131072xf32, #tpu.memory_space<vmem>>, vector<131072xf32>
    %mul3A = arith.mulf %get3A_0, %get3A_2 : vector<131072xf32>
    %bitcast_convert_type3A = tpu.bitcast %mul3A : vector<131072xf32> -> vector<131072xi32>
    %shift_right_arithmetic3A = arith.constant 31 : i32
    %shift_right_arithmetic3A_3 = vector.broadcast %shift_right_arithmetic3A : i32 to vector<131072xi32>
    %shift_right_arithmetic3A_4 = arith.shrsi %bitcast_convert_type3A, %shift_right_arithmetic3A_3 : vector<131072xi32>
    %and3A = arith.constant 2147483647 : i32
    %and3A_5 = vector.broadcast %and3A : i32 to vector<131072xi32>
    %and3A_6 = arith.andi %shift_right_arithmetic3A_4, %and3A_5 : vector<131072xi32>
    %xor3A = arith.xori %bitcast_convert_type3A, %and3A_6 : vector<131072xi32>
    %get3A_7 = arith.constant 0 : index
    %get3A_8 = arith.constant 0 : index
    %get3A_9 = memref.load %arg3[%get3A_7, %get3A_8] : memref<1x1xi32, #tpu.memory_space<smem>>
    %lt3A = vector.broadcast %get3A_9 : i32 to vector<131072xi32>
    %lt3A_10 = arith.cmpi slt, %xor3A, %lt3A : vector<131072xi32>
    %neg3A = arith.constant 0.000000e+00 : f32
    %neg3A_11 = vector.broadcast %neg3A : f32 to vector<131072xf32>
    %neg3A_12 = arith.subf %neg3A_11, %mul3A : vector<131072xf32>
    %exp3A = math.exp %neg3A_12 : vector<131072xf32>
    %add3A = arith.constant 1.000000e+00 : f32
    %add3A_13 = vector.broadcast %add3A : f32 to vector<131072xf32>
    %add3A_14 = arith.addf %exp3A, %add3A_13 : vector<131072xf32>
    %log3A = math.log %add3A_14 : vector<131072xf32>
    %add3A_15 = arith.addf %mul3A, %log3A : vector<131072xf32>
    %jit3A = arith.constant 0.000000e+00 : f32
    %broadcast_in_dim3A = vector.broadcast %jit3A : f32 to vector<131072xf32>
    %select_n3A = arith.select %lt3A_10, %add3A_15, %broadcast_in_dim3A : vector<131072xi1>, vector<131072xf32>
    %add3A_16 = arith.addf %log3A, %select_n3A : vector<131072xf32>
    %reduce_sum3A = vector.shape_cast %add3A_16 : vector<131072xf32> to vector<1x131072xf32>
    %reduce_sum3A_17 = arith.constant dense<0.000000e+00> : vector<1xf32>
    %reduce_sum3A_18 = vector.multi_reduction <add>, %reduce_sum3A, %reduce_sum3A_17 [1] : vector<1x131072xf32> to vector<1xf32>
    %reduce_sum3A_19 = vector.shape_cast %reduce_sum3A_18 : vector<1xf32> to vector<1x1xf32>
    %reduce_sum3A_20 = vector.extract %reduce_sum3A_19[0, 0] : f32 from vector<1x1xf32>
    %convert_element_type3A = arith.extui %lt3A_10 : vector<131072xi1> to vector<131072xi32>
    %reduce_sum3A_21 = vector.shape_cast %convert_element_type3A : vector<131072xi32> to vector<1x131072xi32>
    %reduce_sum3A_22 = arith.constant dense<0> : vector<1xi32>
    %reduce_sum3A_23 = vector.multi_reduction <add>, %reduce_sum3A_21, %reduce_sum3A_22 [1] : vector<1x131072xi32> to vector<1xi32>
    %reduce_sum3A_24 = vector.shape_cast %reduce_sum3A_23 : vector<1xi32> to vector<1x1xi32>
    %reduce_sum3A_25 = vector.extract %reduce_sum3A_24[0, 0] : i32 from vector<1x1xi32>
    %eq3A = arith.constant 0 : i32
    %eq3A_26 = arith.cmpi eq, %arg0, %eq3A : i32
    %convert_element_type3A_27 = arith.extui %eq3A_26 : i1 to i32
    %cond3A = arith.constant 0 : i32
    %cond3A_28 = arith.cmpi ne, %convert_element_type3A_27, %cond3A : i32
    scf.if %cond3A_28 {
      %swap3A_47 = arith.constant 0.000000e+00 : f32
      %swap3A_48 = arith.constant 0 : index
      %swap3A_49 = arith.constant 0 : index
      %swap3A_50 = memref.load %arg6[%swap3A_48, %swap3A_49] : memref<1x1xf32, #tpu.memory_space<smem>>
      memref.store %swap3A_47, %arg6[%swap3A_48, %swap3A_49] : memref<1x1xf32, #tpu.memory_space<smem>>
      %swap3A_51 = arith.constant 0 : i32
      %swap3A_52 = arith.constant 0 : index
      %swap3A_53 = arith.constant 0 : index
      %swap3A_54 = memref.load %arg7[%swap3A_52, %swap3A_53] : memref<1x1xi32, #tpu.memory_space<smem>>
      memref.store %swap3A_51, %arg7[%swap3A_52, %swap3A_53] : memref<1x1xi32, #tpu.memory_space<smem>>
    } else {
    }
    %get3A_29 = arith.constant 0 : index
    %get3A_30 = arith.constant 0 : index
    %get3A_31 = memref.load %arg6[%get3A_29, %get3A_30] : memref<1x1xf32, #tpu.memory_space<smem>>
    %add3A_32 = arith.addf %get3A_31, %reduce_sum3A_20 : f32
    %swap3A = arith.constant 0 : index
    %swap3A_33 = arith.constant 0 : index
    %swap3A_34 = memref.load %arg6[%swap3A, %swap3A_33] : memref<1x1xf32, #tpu.memory_space<smem>>
    memref.store %add3A_32, %arg6[%swap3A, %swap3A_33] : memref<1x1xf32, #tpu.memory_space<smem>>
    %get3A_35 = arith.constant 0 : index
    %get3A_36 = arith.constant 0 : index
    %get3A_37 = memref.load %arg7[%get3A_35, %get3A_36] : memref<1x1xi32, #tpu.memory_space<smem>>
    %add3A_38 = arith.addi %get3A_37, %reduce_sum3A_25 : i32
    %swap3A_39 = arith.constant 0 : index
    %swap3A_40 = arith.constant 0 : index
    %swap3A_41 = memref.load %arg7[%swap3A_39, %swap3A_40] : memref<1x1xi32, #tpu.memory_space<smem>>
    memref.store %add3A_38, %arg7[%swap3A_39, %swap3A_40] : memref<1x1xi32, #tpu.memory_space<smem>>
    %eq3A_42 = arith.constant 31 : i32
    %eq3A_43 = arith.cmpi eq, %arg0, %eq3A_42 : i32
    %convert_element_type3A_44 = arith.extui %eq3A_43 : i1 to i32
    %cond3A_45 = arith.constant 0 : i32
    %cond3A_46 = arith.cmpi ne, %convert_element_type3A_44, %cond3A_45 : i32
    scf.if %cond3A_46 {
      %get3A_47 = arith.constant 0 : index
      %get3A_48 = arith.constant 0 : index
      %get3A_49 = memref.load %arg6[%get3A_47, %get3A_48] : memref<1x1xf32, #tpu.memory_space<smem>>
      %swap3A_50 = arith.constant 0 : index
      %swap3A_51 = arith.constant 0 : index
      %swap3A_52 = memref.load %arg4[%swap3A_50, %swap3A_51] : memref<1x1xf32, #tpu.memory_space<smem>>
      memref.store %get3A_49, %arg4[%swap3A_50, %swap3A_51] : memref<1x1xf32, #tpu.memory_space<smem>>
      %get3A_53 = arith.constant 0 : index
      %get3A_54 = arith.constant 0 : index
      %get3A_55 = memref.load %arg7[%get3A_53, %get3A_54] : memref<1x1xi32, #tpu.memory_space<smem>>
      %swap3A_56 = arith.constant 0 : index
      %swap3A_57 = arith.constant 0 : index
      %swap3A_58 = memref.load %arg5[%swap3A_56, %swap3A_57] : memref<1x1xi32, #tpu.memory_space<smem>>
      memref.store %get3A_55, %arg5[%swap3A_56, %swap3A_57] : memref<1x1xi32, #tpu.memory_space<smem>>
    } else {
    }
    return
  }
  func.func @transform_0(%arg0: i32) -> i32 {
    %c0_i32 = arith.constant 0 : i32
    return %arg0 : i32
  }
  func.func @transform_1(%arg0: i32) -> i32 {
    %c0_i32 = arith.constant 0 : i32
    return %arg0 : i32
  }
  func.func @transform_2(%arg0: i32) -> (i32, i32) {
    %c0_i32 = arith.constant 0 : i32
    %c0_i32_0 = arith.constant 0 : i32
    %c0_i32_1 = arith.constant 0 : i32
    return %c0_i32, %c0_i32_0 : i32, i32
  }
  func.func @transform_3(%arg0: i32) -> (i32, i32) {
    %c0_i32 = arith.constant 0 : i32
    %c0_i32_0 = arith.constant 0 : i32
    %c0_i32_1 = arith.constant 0 : i32
    return %c0_i32, %c0_i32_0 : i32, i32
  }
  func.func @transform_4(%arg0: i32) -> (i32, i32) {
    %c0_i32 = arith.constant 0 : i32
    %c0_i32_0 = arith.constant 0 : i32
    %c0_i32_1 = arith.constant 0 : i32
    return %c0_i32, %c0_i32_0 : i32, i32
  }
}

</mosaic_0001>

<sc_bundles>
// kernel: kernel.5.cloned.1.call-start
scs
__scs_entry_jumppad:
0x0: {  	(pc) =	sbr.rel $0x88, $3  }
0x1: {  	(tag) =	ssettag $0x0;
	lr =	simm.s32 $0x1  }
0x2: {  	[smem:$0x3F9F] =	sst lr;
	_ =	strace $0xD0000000  }
0x3: {  	_ = 	snop  }
0x4: {  	_ = 	snop  }
0x5: {  	_ = 	snop  }
0x6: {  	_ = 	snop  }
0x7: {  	_ = 	snop  }
__scs_overlays_trampoline_lowered:
0x8: {  	[smem:$0x3FAE] =	sst s0  }
0x9: {  	[smem:$0x3FAF] =	sst s1  }
0xa: {  	[smem:$0x3FB0] =	sst s2  }
0xb: {  	[smem:$0x3FB1] =	sst s3  }
0xc: {  	[smem:$0x3FB2] =	sst s4  }
0xd: {  	[smem:$0x3FB3] =	sst s5  }
0xe: {  	[smem:$0x3FB4] =	sst s6  }
0xf: {  	[smem:$0x3FB5] =	sst s7  }
0x10: {  	[smem:$0x3FB6] =	sst s8  }
0x11: {  	[smem:$0x3FB7] =	sst s9;
	s0 =	simm.s32 @!p0 $0x0  }
0x12: {  	s1 =	sld [smem:$0x3F9D];
	s0 =	simm.s32 @p0 $0x1  }
0x13: {  	[smem:$0x3FB8] =	sst s0;
	s0 =	simm.s32 @!p1 $0x0  }
0x14: {  	s2 =	sld [smem:$0x3F9C];
	s0 =	simm.s32 @p1 $0x1  }
0x15: {  	[smem:$0x3FB9] =	sst s0;
	s0 =	simm.s32 @!p2 $0x0  }
0x16: {  	s3 =	sld [smem:$0x3FDB];
	s0 =	simm.s32 @p2 $0x1  }
0x17: {  	s4 =	simm.s32 $0x1BF5;
	[smem:$0x3FBB] =	sst s0  }
0x18: {  	s0 =	sld [smem:$0x3F9E];
	_ =	swait.ge [sflag:s4], $0x0  }
0x19: {  	s7 =	sld [smem:$0x3F9F]  }
0x1a: {  	s8 =	sadd.s32 $0xFFFFE003, lr  }
0x1b: {  	s9 =	sadd.s32 $0xFFFFFEF7, lr;
	s5 =	simm.s32 $0xFFFFFFFF;
	p2 =	slt.u32 s8, $0xFFFFF086  }
0x1c: {  	p1 =	slt.u32 s9, $0xF7A;
	s5 =	simm.s32 @!p2 $0x0  }
0x1d: {  	s5 =	simm.s32 @p1 $0x1;
	p0 =	seq.s32 s7, s2  }
0x1e: {  	s7 =	smul.u32 @!p0 $0xF7A, s2;
	p2 =	seq.s32 @!p0 s5, $0x0  }
0x1f: {  	s9 =	smul.u32 $0xF7A, s1;
	s8 =	simm.s32 @!p0 $0x1BF5;
	p2 =	por !p2, p0  }
0x20: {  	[sflag:s8] =	ssyncset.s32 @!p0 $0xFFFFF086;
	s6 =	sadd.s32 @!p0 s3, s7;
	s7 =	simm.s32 @!p0 $0x108  }
0x21: {  	s3 =	sadd.s32 s3, s9;
	s6 =	sadd.s32 @!p0 $0x88, s6;
	s7 =	simm.s32 @p2 $0x1082  }
0x22: {  	[simem:s7], [sflag:s8] =	dma.local @!p0 [hbm:s6], $0xF7A  }
0x23: {  	s9 =	sor.u32 $0xD0000000, s2;
	s6 =	simm.s32 $0x108;
	_ =	swait.ge @!p0 [sflag:s8], $0x0  }
0x24: {  	s3 =	sadd.s32 $0x88, s3;
	s6 =	simm.s32 @!p1 $0x1082;
	[sflag:s4] =	ssyncset.s32 $0xFFFFF086  }
0x25: {  	[simem:s6], [sflag:s4] =	dma.local [hbm:s3], $0xF7A  }
0x26: {  	[smem:$0x3F9F] =	sst s1;
	(tag) =	ssettag s2;
	_ =	strace s9  }
0x27: {  	s1 =	sld [smem:$0x3FAF]  }
0x28: {  	s2 =	sld [smem:$0x3FB0]  }
0x29: {  	s4 =	sld [smem:$0x3FB2]  }
0x2a: {  	p0 =	seq.s32 s5, $0x0;
	s5 =	sld [smem:$0x3FB3]  }
0x2b: {  	s6 =	sld [smem:$0x3FB4]  }
0x2c: {  	s7 =	sld [smem:$0x3FB5]  }
0x2d: {  	s3 =	simm.s32 $0x108;
	s8 =	sld [smem:$0x3FB6]  }
0x2e: {  	s3 =	simm.s32 @!p0 $0x1082;
	s9 =	sld [smem:$0x3FB7]  }
0x2f: {  	lr =	sadd.s32 s0, s3;
	s0 =	sld [smem:$0x3FAE]  }
0x30: {  	s3 =	sld [smem:$0x3FB1]  }
0x31: {  	[smem:$0x3FBA] =	sst s10  }
0x32: {  	s10 =	sld [smem:$0x3FB8];
	_ =	sdelay $0x3  }
0x33: {  	p0 =	seq.s32 s10, $0x1;
	s10 =	sld [smem:$0x3FBA];
	_ =	sdelay $0x3  }
0x34: {  	[smem:$0x3FBA] =	sst s10  }
0x35: {  	s10 =	sld [smem:$0x3FB9];
	_ =	sdelay $0x3  }
0x36: {  	p1 =	seq.s32 s10, $0x1;
	s10 =	sld [smem:$0x3FBA];
	_ =	sdelay $0x3  }
0x37: {  	[smem:$0x3FBA] =	sst s10  }
0x38: {  	s10 =	sld [smem:$0x3FBB]  }
0x39: {  	_ = 	snop;
	(pc) =	sbr.ind lr, $3  }
0x3a: {  	_ = 	snop  }
0x3b: {  	_ = 	snop  }
0x3c: {  	p2 =	seq.s32 s10, $0x1;
	s10 =	sld [smem:$0x3FBA]  }
0x3d: {  	_ =	shalt  }
0x3e: {  	_ =	shalt  }
0x3f: {  	_ =	shalt  }
0x40: {  	_ =	shalt  }
0x41: {  	_ =	shalt  }
0x42: {  	_ =	shalt  }
0x43: {  	_ =	shalt  }
0x44: {  	_ =	shalt  }
0x45: {  	_ =	shalt  }
0x46: {  	_ =	shalt  }
0x47: {  	_ =	shalt  }
0x48: {  	_ =	shalt  }
0x49: {  	_ =	shalt  }
0x4a: {  	_ =	shalt  }
0x4b: {  	_ =	shalt  }
0x4c: {  	_ =	shalt  }
0x4d: {  	_ =	shalt  }
0x4e: {  	_ =	shalt  }
0x4f: {  	_ =	shalt  }
0x50: {  	_ =	shalt  }
0x51: {  	_ =	shalt  }
0x52: {  	_ =	shalt  }
0x53: {  	_ =	shalt  }
0x54: {  	_ =	shalt  }
0x55: {  	_ =	shalt  }
0x56: {  	_ =	shalt  }
0x57: {  	_ =	shalt  }
0x58: {  	_ =	shalt  }
0x59: {  	_ =	shalt  }
0x5a: {  	_ =	shalt  }
0x5b: {  	_ =	shalt  }
0x5c: {  	_ =	shalt  }
0x5d: {  	_ =	shalt  }
0x5e: {  	_ =	shalt  }
0x5f: {  	_ =	shalt  }
0x60: {  	_ =	shalt  }
0x61: {  	_ =	shalt  }
0x62: {  	_ =	shalt  }
0x63: {  	_ =	shalt  }
0x64: {  	_ =	shalt  }
0x65: {  	_ =	shalt  }
0x66: {  	_ =	shalt  }
0x67: {  	_ =	shalt  }
0x68: {  	_ =	shalt  }
0x69: {  	_ =	shalt  }
0x6a: {  	_ =	shalt  }
0x6b: {  	_ =	shalt  }
0x6c: {  	_ =	shalt  }
0x6d: {  	_ =	shalt  }
0x6e: {  	_ =	shalt  }
0x6f: {  	_ =	shalt  }
0x70: {  	_ =	shalt  }
0x71: {  	_ =	shalt  }
0x72: {  	_ =	shalt  }
0x73: {  	_ =	shalt  }
0x74: {  	_ =	shalt  }
0x75: {  	_ =	shalt  }
0x76: {  	_ =	shalt  }
0x77: {  	_ =	shalt  }
0x78: {  	_ =	shalt  }
0x79: {  	_ =	shalt  }
0x7a: {  	_ =	shalt  }
0x7b: {  	_ =	shalt  }
0x7c: {  	_ =	shalt  }
0x7d: {  	_ =	shalt  }
0x7e: {  	_ =	shalt  }
0x7f: {  	_ =	shalt  }
0x80: {  	_ =	shalt  }
0x81: {  	_ =	shalt  }
0x82: {  	_ =	shalt  }
0x83: {  	_ =	shalt  }
0x84: {  	_ =	shalt  }
0x85: {  	_ =	shalt  }
0x86: {  	_ =	shalt  }
0x87: {  	_ =	shalt  }
.Lfunc_end0:
.L_simem_size_0:
called_computation_lowered:
.L_overlay_start_0:
0x88: {  	s2 =	sld [smem:$0x3FD9]  }
0x89: {  	s3 =	sld [smem:$0x3FFE];
	_ =	sdelay $0x1  }
0x8a: {  	s1 =	srdreg.scid  }
0x8b: {  	s0 =	sand.u32 $0x1, s1  }
0x8c: {  	s17 =	sshll.u32 s0, $0xA;
	s2 =	sadd.s32 s3, s2  }
0x8d: {  	s2 =	sadd.s32 s2, s17  }
0x8e: {  	[smem:$0x3FC6] =	sst s2  }
0x8f: {  	_ = 	snop  }
0x90: {  	s2 =	sld [smem:$0x3FC9]  }
0x91: {  	s18 =	sld [smem:$0x3FC8];
	(tm) =	ssettm $0x1  }
0x92: {  	s4 =	sld [smem:$0x3FFB];
	_ =	sdelay $0x3  }
0x93: {  	_ =	strace s4  }
0x94: {  	s4 =	sld [smem:$0x3FFC];
	_ =	sdelay $0x3  }
0x95: {  	_ =	strace s4  }
0x96: {  	s4 =	sld [smem:$0x3FFD];
	_ =	sdelay $0x3  }
0x97: {  	_ =	strace s4  }
0x98: {  	_ =	strace $0x8FFFFFFF  }
0x99: {  	s19 =	sld [smem:$0x3FDB];
	_ =	sdelay $0x1  }
0x9a: {  	s5 =	simm.s32 $_scs_section_size  }
0x9b: {  	s6 =	simm.s32 $_size__tile_overlayer_lowered;
	s7 =	simm.s32 $_tile_overlayer_lowered  }
0x9c: {  	s22 =	simm.s32 $0x1BFF;
	s21 =	sshll.u32 s7, $0x1;
	s4 =	sadd.s32 s5, s19  }
0x9d: {  	s8 =	simm.s32 $0x0;
	s20 =	sshll.u32 s6, $0x1;
	s6 =	sadd.s32 s21, s4  }
0x9e: {  	[timem:s8], [sflag:s22] =	dma.local [hbm:s6], s20  }
0x9f: {  	_ =	swait.ge [sflag:s22], s20  }
0xa0: {  	s5 =	ssub.s32 $0x0, s20;
	[sflag:s22] =	ssyncset.done $0x0  }
0xa1: {  	[sflag:s22] =	ssyncadd.s32 s5;
	_ =	sdelay $0x1  }
0xa2: {  	s23 =	simm.s32 $0x1B8B  }
0xa3: {  	_ =	swait.ge [sflag:s23], $0x1  }
0xa4: {  	[sflag:s23] =	ssyncset.done $0x0  }
0xa5: {  	s25 =	simm.s32 $0x1B8E;
	s24 =	sld [smem:$0x3FFE];
	[sflag:s23] =	ssyncadd.s32 $0xFFFFFFFF  }
0xa6: {  	s26 =	simm.s32 $execute0_lowered;
	[smem:$0x3FD2] =	sst s25  }
0xa7: {  	s6 =	sshll.u32 s26, $0x1;
	_ =	strace $0x80000046;
	[dreg:$0x1] =	wrdreg $0xFFFFFFFF  }
0xa8: {  	s28 =	simm.s32 $_size_execute0_lowered;
	s4 =	sadd.s32 s4, s6;
	[dreg:$0x0] =	wrdreg $0x0  }
0xa9: {  	s6 =	sshll.u32 s28, $0x1;
	[dreg:$0x2] =	wrdreg s4  }
0xaa: {  	[dreg:$0x3] =	wrdreg s6  }
0xab: {  	[dreg:$0x4] =	wrdreg $0xC0  }
0xac: {  	_ =	task [dreg:s8], $0x5FFFF  }
0xad: {  	[dreg:$0x1] =	wrdreg $0xFFFFFFFF  }
0xae: {  	[dreg:$0x0] =	wrdreg $0x60  }
0xaf: {  	[dreg:$0x2] =	wrdreg s2  }
0xb0: {  	[dreg:$0x3] =	wrdreg s18  }
0xb1: {  	[dreg:$0x4] =	wrdreg s24  }
0xb2: {  	[dreg:$0x5] =	wrdreg $0x190000  }
0xb3: {  	[dreg:$0x6] =	wrdreg $0x9  }
0xb4: {  	_ =	task.clear_ibuf [dreg:s8], $0x7FFFF;
	_ =	strace $0x90000046  }
0xb5: {  	s29 =	simm.s32 $0x9;
	_ =	strace $0x80000048  }
0xb6: {  	_ =	swait.ge [sflag:s29], $0x1  }
0xb7: {  	[sflag:s29] =	ssyncadd.s32 $0xFFFFFFFF  }
0xb8: {  	_ =	strace $0x90000048  }
0xb9: {  	_ =	sfence  }
0xba: {  	s30 =	sld [smem:$0x0];
	_ =	sdelay $0x2  }
0xbb: {  	s31 =	sshll.u32 s1, $0xD;
	s1 =	sshrl.u32 s1, $0x2  }
0xbc: {  	s3 =	sand.u32 $0x4000, s31;
	s1 =	sadd.s32 s1, s30  }
0xbd: {  	s0 =	sor.u32 s3, s0;
	s1 =	sshll.u32 s1, $0x11  }
0xbe: {  	s0 =	sor.u32 s1, s0  }
0xbf: {  	s0 =	sadd.s32 $0x8F2B, s0  }
0xc0: {  	[sflag:s0] =	ssyncadd.remote.s32 $0x1  }
0xc1: {  	_ =	sfence.sel $0xFFFF  }
0xc2: {  	[dreg:$0x0] =	wrdreg $0xFFFFFFFF;
	(pc) =	sbr.abs _section_cstart, $3  }
0xc3: {  	[dreg:$0x1] =	wrdreg $0xFFFFFFFF  }
0xc4: {  	_ =	task.clear_ibuf [dreg:s8], $0x2FFFF;
	_ =	strace $0x9FFFFFFF  }
0xc5: {  	(tm) =	ssettm $0x7FFFFFFF  }
tec
execute0_lowered:
.L_overlay_start_1:
0x0: {  	(tag) =	ssettag $0x1  }
0x1: {  	s13 =	rddreg [dreg:$0x0]  }
0x2: {  	s12 =	rddreg [dreg:$0x1]  }
0x3: {  	s6 =	rddreg [dreg:$0x2];
	s0 =	srdreg.scid  }
0x4: {  	s1 =	rddreg [dreg:$0x3];
	s19 =	stileid.u32;
	s2 =	simm.s32 $0x0  }
0x5: {  	s15 =	simm.s32 $0x4000;
	s16 =	simm.s32 $0x6000;
	s17 =	simm.s32 $0x1  }
0x6: {  	s18 =	simm.s32 $0x2;
	s20 =	simm.s32 $0x3;
	s21 =	simm.s32 $0x0  }
0x7: {  	s5 =	sand.u32 $0x1, s0;
	s0 =	rddreg [dreg:$0x4];
	s4 =	sshll.u32 s19, $0x11  }
0x8: {  	[smem:$0x7FF] =	sst s2;
	s10 =	sshll.u32 s19, $0xC;
	p0 =	sne.s32 s19, $0x0  }
0x9: {  	s19 =	simm.s32 $0x18000;
	s3 =	sshll.u32 s5, $0x15;
	s7 =	ssub.s32 $0x2, s5  }
0xa: {  	_ =	strace $0x80000047;
	s11 =	sshll.u32 s5, $0x4;
	s5 =	sadd.s32 s10, s1  }
0xb: {  	s9 =	sor.u32 s4, s3;
	s29 =	sshrl.u32 s7, $0x1;
	s6 =	sadd.s32 s6, s11  }
0xc: {  	s8 =	sshrl.u32 s9, $0x3;
	s7 =	ssub.s32 s7, s29;
	s31 =	sor.u32 $0x4000, s9  }
0xd: {  	s3 =	sadd.s32 s8, s13;
	s4 =	sadd.s32 s8, s12;
	s30 =	sor.u32 $0x3C00, s8  }
0xe: {  	s7 =	smax.u32 s7, $0x1;
	s14 =	sshrl.u32 s31, $0x3;
	s8 =	sadd.s32 s13, s30  }
0xf: {  	s9 =	sadd.s32 s12, s30;
	s10 =	sadd.s32 $0x400, s3;
	s11 =	sadd.s32 $0x400, s4  }
0x10: {  	s12 =	sadd.s32 s14, s12;
	s13 =	sadd.s32 s14, s13;
	s14 =	simm.s32 $0x2000  }
.LBB2_1:
0x11: {  	[tilespmem:s2], [sflag:$0x1] =	stream.linear.gather [hbm4b:s3+s2], $0x2000, $0x38;
	[tilespmem:$0x1A000] =	vst v63  }
0x12: {  	_ = 	snop  }
0x13: {  	[tilespmem:s14], [sflag:$0x1] =	stream.linear.gather [hbm4b:s4+s2], $0x2000, $0x38;
	[tilespmem:$0x1A000] =	vst v63  }
0x14: {  	s22 =	sadd.s32 $0x0, s10  }
0x15: {  	[tilespmem:s15], [sflag:$0x2] =	stream.linear.gather [hbm4b:s22+s2], $0x2000, $0x38;
	[tilespmem:$0x1A000] =	vst v63  }
0x16: {  	s29 =	sadd.s32 $0x0, s11  }
0x17: {  	[tilespmem:s16], [sflag:$0x2] =	stream.linear.gather [hbm4b:s29+s2], $0x2000, $0x38;
	[tilespmem:$0x1A000] =	vst v63  }
0x18: {  	_ =	swait.ge [sflag:s17], $0x2000  }
0x19: {  	[sflag:s17] =	ssyncset.done $0x0  }
0x1a: {  	[sflag:s17] =	ssyncadd.s32 $0xFFFFE000  }
0x1b: {  	_ =	swait.ge [sflag:s17], $0x2000  }
0x1c: {  	[sflag:s17] =	ssyncset.done $0x0  }
0x1d: {  	s30 =	sadd.s32 $0x0, s13;
	[sflag:s17] =	ssyncadd.s32 $0xFFFFE000  }
0x1e: {  	[tilespmem:s2], [sflag:$0x1] =	stream.linear.gather [hbm4b:s30+s2], $0x2000, $0x38;
	[tilespmem:$0x1A000] =	vst v63  }
0x1f: {  	s31 =	sadd.s32 $0x0, s12  }
0x20: {  	[tilespmem:s14], [sflag:$0x1] =	stream.linear.gather [hbm4b:s31+s2], $0x2000, $0x38;
	[tilespmem:$0x1A000] =	vst v63  }
0x21: {  	_ =	swait.ge [sflag:s18], $0x2000  }
0x22: {  	[sflag:s18] =	ssyncset.done $0x0  }
0x23: {  	[sflag:s18] =	ssyncadd.s32 $0xFFFFE000  }
0x24: {  	_ =	swait.ge [sflag:s18], $0x2000  }
0x25: {  	s23 =	simm.s32 $0x1000;
	s22 =	simm.s32 $0x800;
	[sflag:s18] =	ssyncset.done $0x0  }
.LBB2_2:
0x26: {  	s24 =	sadd.s32 s22, s10  }
0x27: {  	[sflag:s18] =	ssyncadd.s32 $0xFFFFE000;
	s25 =	smov.u32 s23;
	s26 =	sadd.s32 $0x800, s23  }
0x28: {  	[tilespmem:s15], [sflag:$0x2] =	stream.linear.gather [hbm4b:s24+s2], $0x2000, $0x38;
	[tilespmem:$0x1A000] =	vst v63  }
0x29: {  	p1 =	sne.s32 s23, $0x3000;
	s23 =	sadd.s32 s22, s11  }
0x2a: {  	[tilespmem:s16], [sflag:$0x2] =	stream.linear.gather [hbm4b:s23+s2], $0x2000, $0x38;
	[tilespmem:$0x1A000] =	vst v63  }
0x2b: {  	_ =	swait.ge [sflag:s17], $0x2000  }
0x2c: {  	[sflag:s17] =	ssyncset.done $0x0  }
0x2d: {  	[sflag:s17] =	ssyncadd.s32 $0xFFFFE000  }
0x2e: {  	_ =	swait.ge [sflag:s17], $0x2000  }
0x2f: {  	[sflag:s17] =	ssyncset.done $0x0  }
0x30: {  	s23 =	sadd.s32 s22, s13;
	[sflag:s17] =	ssyncadd.s32 $0xFFFFE000  }
0x31: {  	[tilespmem:s2], [sflag:$0x1] =	stream.linear.gather [hbm4b:s23+s2], $0x2000, $0x38;
	[tilespmem:$0x1A000] =	vst v63  }
0x32: {  	s23 =	sadd.s32 s22, s12;
	s22 =	smov.u32 s25  }
0x33: {  	[tilespmem:s14], [sflag:$0x1] =	stream.linear.gather [hbm4b:s23+s2], $0x2000, $0x38;
	[tilespmem:$0x1A000] =	vst v63  }
.Ltmp0:
0x34: {  	_ =	swait.ge [sflag:s18], $0x2000;
	(pc) =	sbr.rel @p1 .LBB2_2-.Ltmp0, $4  }
0x35: {  	[sflag:s18] =	ssyncset.done $0x0  }
0x36: {  	[sflag:s18] =	ssyncadd.s32 $0xFFFFE000  }
0x37: {  	_ =	swait.ge [sflag:s18], $0x2000  }
0x38: {  	s23 =	smov.u32 s26;
	[sflag:s18] =	ssyncset.done $0x0  }
0x39: {  	s23 =	sadd.s32 s22, s10;
	[sflag:s18] =	ssyncadd.s32 $0xFFFFE000  }
0x3a: {  	[tilespmem:s15], [sflag:$0x2] =	stream.linear.gather [hbm4b:s23+s2], $0x2000, $0x38;
	[tilespmem:$0x1A000] =	vst v63  }
0x3b: {  	s29 =	sadd.s32 s22, s11  }
0x3c: {  	[tilespmem:s16], [sflag:$0x2] =	stream.linear.gather [hbm4b:s29+s2], $0x2000, $0x38;
	[tilespmem:$0x1A000] =	vst v63  }
0x3d: {  	_ =	swait.ge [sflag:s17], $0x2000  }
0x3e: {  	[sflag:s17] =	ssyncset.done $0x0  }
0x3f: {  	[sflag:s17] =	ssyncadd.s32 $0xFFFFE000  }
0x40: {  	_ =	swait.ge [sflag:s17], $0x2000  }
0x41: {  	[sflag:s17] =	ssyncset.done $0x0  }
0x42: {  	s30 =	sadd.s32 s22, s13;
	[sflag:s17] =	ssyncadd.s32 $0xFFFFE000  }
0x43: {  	[tilespmem:s2], [sflag:$0x1] =	stream.linear.gather [hbm4b:s30+s2], $0x2000, $0x38;
	[tilespmem:$0x1A000] =	vst v63  }
0x44: {  	s31 =	sadd.s32 s22, s12  }
0x45: {  	[tilespmem:s14], [sflag:$0x1] =	stream.linear.gather [hbm4b:s31+s2], $0x2000, $0x38;
	[tilespmem:$0x1A000] =	vst v63  }
0x46: {  	_ =	swait.ge [sflag:s18], $0x2000  }
0x47: {  	[sflag:s18] =	ssyncset.done $0x0  }
0x48: {  	[sflag:s18] =	ssyncadd.s32 $0xFFFFE000  }
0x49: {  	_ =	swait.ge [sflag:s18], $0x2000  }
0x4a: {  	[sflag:s18] =	ssyncset.done $0x0  }
0x4b: {  	[sflag:s18] =	ssyncadd.s32 $0xFFFFE000  }
0x4c: {  	[tilespmem:s15], [sflag:$0x2] =	stream.linear.gather [hbm4b:s8+s2], $0x2000, $0x38;
	[tilespmem:$0x1A000] =	vst v63  }
0x4d: {  	_ = 	snop  }
0x4e: {  	[tilespmem:s16], [sflag:$0x2] =	stream.linear.gather [hbm4b:s9+s2], $0x2000, $0x38;
	[tilespmem:$0x1A000] =	vst v63  }
0x4f: {  	_ =	swait.ge [sflag:s17], $0x2000  }
0x50: {  	[sflag:s17] =	ssyncset.done $0x0  }
0x51: {  	[sflag:s17] =	ssyncadd.s32 $0xFFFFE000  }
0x52: {  	_ =	swait.ge [sflag:s17], $0x2000  }
0x53: {  	[sflag:s17] =	ssyncset.done $0x0  }
0x54: {  	[sflag:s17] =	ssyncadd.s32 $0xFFFFE000  }
0x55: {  	_ =	swait.ge [sflag:s18], $0x2000  }
0x56: {  	[sflag:s18] =	ssyncset.done $0x0  }
0x57: {  	[sflag:s18] =	ssyncadd.s32 $0xFFFFE000  }
0x58: {  	_ =	swait.ge [sflag:s18], $0x2000  }
0x59: {  	[sflag:s18] =	ssyncset.done $0x0  }
0x5a: {  	[sflag:s18] =	ssyncadd.s32 $0xFFFFE000  }
0x5b: {  	[spmem:s5] =	stream.linear.scatter [tilespmem:s19], [sflag:$0x3], $0x1000, $0x38;
	[tilespmem:$0x1A000] =	vst v63  }
0x5c: {  	_ =	swait.ge [sflag:s20], $0x1000  }
0x5d: {  	[sflag:s20] =	ssyncset.done $0x0  }
0x5e: {  	[sflag:s20] =	ssyncadd.s32 $0xFFFFF000  }
0x5f: {  	s22 =	simm.s32 @!p0 $0x8000;
	[bflag:$0x0] =	sbarrier.arrive $0xFFFF  }
0x60: {  	[tilespmem:s22], [sflag:$0x3] =	stream.linear.gather @!p0 [spmem:s1], $0x10000, $0x38;
	[tilespmem:$0x1A000] =	vst v63  }
0x61: {  	s22 =	simm.s32 @!p0 $0x3  }
0x62: {  	s24 =	simm.s32 @!p0 $0x100;
	s21 =	sadd.s32 $0x1, s21;
	_ =	swait.ge @!p0 [sflag:s22], $0x10000  }
0x63: {  	s25 =	simm.s32 @!p0 $0x18000;
	p1 =	sne.s32 s21, s7;
	[sflag:s22] =	ssyncset.done @!p0 $0x0  }
.Ltmp1:
0x64: {  	s23 =	simm.s32 @!p0 $0x80;
	[sflag:s22] =	ssyncadd.s32 @!p0 $0xFFFF0000;
	(pc) =	sbr.rel @p1 .LBB2_1-.Ltmp1, $4  }
0x65: {  	[hbm4b:s6+s23] =	stream.strided.scatter @!p0 [tilespmem:s25], [sflag:$0x3], $0x1000, s24, s23, $0x38;
	[tilespmem:$0x1A000] =	vst v63  }
0x66: {  	_ =	swait.ge @!p0 [sflag:s22], $0x1000  }
0x67: {  	[sflag:s22] =	ssyncset.done @!p0 $0x0  }
0x68: {  	[sflag:s22] =	ssyncadd.s32 @!p0 $0xFFFFF000  }
0x69: {  	_ =	sfence.sel $0x180000  }
0x6a: {  	[bflag:$0x0] =	sbarrier.arrive $0xFFFF  }
0x6b: {  	_ =	strace $0x90000047  }
0x6c: {  	s0 =	sadd.s32 @!p0 $0x100000, s0;
	[bflag:$0x2] =	sbarrier.arrive $0xFFFF  }
0x6d: {  	[sflag:s0] =	ssyncadd.tile.s32 @!p0 $0x1;
	_ =	shalt  }
.Lfunc_end2:
_tile_overlayer_lowered:
.L_overlay_start_2:
0x6e: {  	(tag) =	ssettag $0x2  }
0x6f: {  	s0 =	rddreg [dreg:$0x0];
	s2 =	stileid.u32  }
0x70: {  	s1 =	rddreg [dreg:$0x1];
	p0 =	sne.s32 s2, $0x0  }
0x71: {  	s3 =	rddreg [dreg:$0x2];
	[bflag:$0x3] =	sbarrier.arrive $0xFFFF;
	s2 =	simm.s32 @!p0 $0x1C03  }
0x72: {  	[timem:s3], [sflag:s2] =	dma.local @!p0 [hbm:s0], s1  }
0x73: {  	s0 =	simm.s32 @!p0 $0x3  }
0x74: {  	_ =	swait.ge @!p0 [sflag:s0], s1  }
0x75: {  	s1 =	ssub.s32 @!p0 $0x0, s1;
	[sflag:s0] =	ssyncset.done @!p0 $0x0  }
0x76: {  	[sflag:s0] =	ssyncadd.s32 @!p0 s1  }
0x77: {  	[bflag:$0x3] =	sbarrier.arrive $0xFFFF  }
0x78: {  	_ =	shalt  }

// kernel: kernel.8.cloned.1.call-start
scs
__scs_entry_jumppad:
0x0: {  	(pc) =	sbr.rel $0x88, $3  }
0x1: {  	(tag) =	ssettag $0x0;
	lr =	simm.s32 $0x1  }
0x2: {  	[smem:$0x3F9F] =	sst lr;
	_ =	strace $0xD0000000  }
0x3: {  	_ = 	snop  }
0x4: {  	_ = 	snop  }
0x5: {  	_ = 	snop  }
0x6: {  	_ = 	snop  }
0x7: {  	_ = 	snop  }
__scs_overlays_trampoline_lowered:
0x8: {  	[smem:$0x3FAE] =	sst s0  }
0x9: {  	[smem:$0x3FAF] =	sst s1  }
0xa: {  	[smem:$0x3FB0] =	sst s2  }
0xb: {  	[smem:$0x3FB1] =	sst s3  }
0xc: {  	[smem:$0x3FB2] =	sst s4  }
0xd: {  	[smem:$0x3FB3] =	sst s5  }
0xe: {  	[smem:$0x3FB4] =	sst s6  }
0xf: {  	[smem:$0x3FB5] =	sst s7  }
0x10: {  	[smem:$0x3FB6] =	sst s8  }
0x11: {  	[smem:$0x3FB7] =	sst s9;
	s0 =	simm.s32 @!p0 $0x0  }
0x12: {  	s1 =	sld [smem:$0x3F9D];
	s0 =	simm.s32 @p0 $0x1  }
0x13: {  	[smem:$0x3FB8] =	sst s0;
	s0 =	simm.s32 @!p1 $0x0  }
0x14: {  	s2 =	sld [smem:$0x3F9C];
	s0 =	simm.s32 @p1 $0x1  }
0x15: {  	[smem:$0x3FB9] =	sst s0;
	s0 =	simm.s32 @!p2 $0x0  }
0x16: {  	s3 =	sld [smem:$0x3FDB];
	s0 =	simm.s32 @p2 $0x1  }
0x17: {  	s4 =	simm.s32 $0x1BF5;
	[smem:$0x3FBB] =	sst s0  }
0x18: {  	s0 =	sld [smem:$0x3F9E];
	_ =	swait.ge [sflag:s4], $0x0  }
0x19: {  	s7 =	sld [smem:$0x3F9F]  }
0x1a: {  	s8 =	sadd.s32 $0xFFFFE003, lr  }
0x1b: {  	s9 =	sadd.s32 $0xFFFFFEF7, lr;
	s5 =	simm.s32 $0xFFFFFFFF;
	p2 =	slt.u32 s8, $0xFFFFF086  }
0x1c: {  	p1 =	slt.u32 s9, $0xF7A;
	s5 =	simm.s32 @!p2 $0x0  }
0x1d: {  	s5 =	simm.s32 @p1 $0x1;
	p0 =	seq.s32 s7, s2  }
0x1e: {  	s7 =	smul.u32 @!p0 $0xF7A, s2;
	p2 =	seq.s32 @!p0 s5, $0x0  }
0x1f: {  	s9 =	smul.u32 $0xF7A, s1;
	s8 =	simm.s32 @!p0 $0x1BF5;
	p2 =	por !p2, p0  }
0x20: {  	[sflag:s8] =	ssyncset.s32 @!p0 $0xFFFFF086;
	s6 =	sadd.s32 @!p0 s3, s7;
	s7 =	simm.s32 @!p0 $0x108  }
0x21: {  	s3 =	sadd.s32 s3, s9;
	s6 =	sadd.s32 @!p0 $0x88, s6;
	s7 =	simm.s32 @p2 $0x1082  }
0x22: {  	[simem:s7], [sflag:s8] =	dma.local @!p0 [hbm:s6], $0xF7A  }
0x23: {  	s9 =	sor.u32 $0xD0000000, s2;
	s6 =	simm.s32 $0x108;
	_ =	swait.ge @!p0 [sflag:s8], $0x0  }
0x24: {  	s3 =	sadd.s32 $0x88, s3;
	s6 =	simm.s32 @!p1 $0x1082;
	[sflag:s4] =	ssyncset.s32 $0xFFFFF086  }
0x25: {  	[simem:s6], [sflag:s4] =	dma.local [hbm:s3], $0xF7A  }
0x26: {  	[smem:$0x3F9F] =	sst s1;
	(tag) =	ssettag s2;
	_ =	strace s9  }
0x27: {  	s1 =	sld [smem:$0x3FAF]  }
0x28: {  	s2 =	sld [smem:$0x3FB0]  }
0x29: {  	s4 =	sld [smem:$0x3FB2]  }
0x2a: {  	p0 =	seq.s32 s5, $0x0;
	s5 =	sld [smem:$0x3FB3]  }
0x2b: {  	s6 =	sld [smem:$0x3FB4]  }
0x2c: {  	s7 =	sld [smem:$0x3FB5]  }
0x2d: {  	s3 =	simm.s32 $0x108;
	s8 =	sld [smem:$0x3FB6]  }
0x2e: {  	s3 =	simm.s32 @!p0 $0x1082;
	s9 =	sld [smem:$0x3FB7]  }
0x2f: {  	lr =	sadd.s32 s0, s3;
	s0 =	sld [smem:$0x3FAE]  }
0x30: {  	s3 =	sld [smem:$0x3FB1]  }
0x31: {  	[smem:$0x3FBA] =	sst s10  }
0x32: {  	s10 =	sld [smem:$0x3FB8];
	_ =	sdelay $0x3  }
0x33: {  	p0 =	seq.s32 s10, $0x1;
	s10 =	sld [smem:$0x3FBA];
	_ =	sdelay $0x3  }
0x34: {  	[smem:$0x3FBA] =	sst s10  }
0x35: {  	s10 =	sld [smem:$0x3FB9];
	_ =	sdelay $0x3  }
0x36: {  	p1 =	seq.s32 s10, $0x1;
	s10 =	sld [smem:$0x3FBA];
	_ =	sdelay $0x3  }
0x37: {  	[smem:$0x3FBA] =	sst s10  }
0x38: {  	s10 =	sld [smem:$0x3FBB]  }
0x39: {  	_ = 	snop;
	(pc) =	sbr.ind lr, $3  }
0x3a: {  	_ = 	snop  }
0x3b: {  	_ = 	snop  }
0x3c: {  	p2 =	seq.s32 s10, $0x1;
	s10 =	sld [smem:$0x3FBA]  }
0x3d: {  	_ =	shalt  }
0x3e: {  	_ =	shalt  }
0x3f: {  	_ =	shalt  }
0x40: {  	_ =	shalt  }
0x41: {  	_ =	shalt  }
0x42: {  	_ =	shalt  }
0x43: {  	_ =	shalt  }
0x44: {  	_ =	shalt  }
0x45: {  	_ =	shalt  }
0x46: {  	_ =	shalt  }
0x47: {  	_ =	shalt  }
0x48: {  	_ =	shalt  }
0x49: {  	_ =	shalt  }
0x4a: {  	_ =	shalt  }
0x4b: {  	_ =	shalt  }
0x4c: {  	_ =	shalt  }
0x4d: {  	_ =	shalt  }
0x4e: {  	_ =	shalt  }
0x4f: {  	_ =	shalt  }
0x50: {  	_ =	shalt  }
0x51: {  	_ =	shalt  }
0x52: {  	_ =	shalt  }
0x53: {  	_ =	shalt  }
0x54: {  	_ =	shalt  }
0x55: {  	_ =	shalt  }
0x56: {  	_ =	shalt  }
0x57: {  	_ =	shalt  }
0x58: {  	_ =	shalt  }
0x59: {  	_ =	shalt  }
0x5a: {  	_ =	shalt  }
0x5b: {  	_ =	shalt  }
0x5c: {  	_ =	shalt  }
0x5d: {  	_ =	shalt  }
0x5e: {  	_ =	shalt  }
0x5f: {  	_ =	shalt  }
0x60: {  	_ =	shalt  }
0x61: {  	_ =	shalt  }
0x62: {  	_ =	shalt  }
0x63: {  	_ =	shalt  }
0x64: {  	_ =	shalt  }
0x65: {  	_ =	shalt  }
0x66: {  	_ =	shalt  }
0x67: {  	_ =	shalt  }
0x68: {  	_ =	shalt  }
0x69: {  	_ =	shalt  }
0x6a: {  	_ =	shalt  }
0x6b: {  	_ =	shalt  }
0x6c: {  	_ =	shalt  }
0x6d: {  	_ =	shalt  }
0x6e: {  	_ =	shalt  }
0x6f: {  	_ =	shalt  }
0x70: {  	_ =	shalt  }
0x71: {  	_ =	shalt  }
0x72: {  	_ =	shalt  }
0x73: {  	_ =	shalt  }
0x74: {  	_ =	shalt  }
0x75: {  	_ =	shalt  }
0x76: {  	_ =	shalt  }
0x77: {  	_ =	shalt  }
0x78: {  	_ =	shalt  }
0x79: {  	_ =	shalt  }
0x7a: {  	_ =	shalt  }
0x7b: {  	_ =	shalt  }
0x7c: {  	_ =	shalt  }
0x7d: {  	_ =	shalt  }
0x7e: {  	_ =	shalt  }
0x7f: {  	_ =	shalt  }
0x80: {  	_ =	shalt  }
0x81: {  	_ =	shalt  }
0x82: {  	_ =	shalt  }
0x83: {  	_ =	shalt  }
0x84: {  	_ =	shalt  }
0x85: {  	_ =	shalt  }
0x86: {  	_ =	shalt  }
0x87: {  	_ =	shalt  }
.Lfunc_end0:
.L_simem_size_0:
called_computation.1_lowered:
.L_overlay_start_0:
0x88: {  	s2 =	sld [smem:$0x3FD9]  }
0x89: {  	s3 =	sld [smem:$0x3FFE];
	_ =	sdelay $0x1  }
0x8a: {  	s1 =	srdreg.scid  }
0x8b: {  	s0 =	sand.u32 $0x1, s1  }
0x8c: {  	s17 =	sshll.u32 s0, $0xA;
	s2 =	sadd.s32 s3, s2  }
0x8d: {  	s2 =	sadd.s32 s2, s17  }
0x8e: {  	[smem:$0x3FC6] =	sst s2  }
0x8f: {  	_ = 	snop  }
0x90: {  	s2 =	sld [smem:$0x3FC9]  }
0x91: {  	s18 =	sld [smem:$0x3FC8];
	(tm) =	ssettm $0x1  }
0x92: {  	s4 =	sld [smem:$0x3FFB];
	_ =	sdelay $0x3  }
0x93: {  	_ =	strace s4  }
0x94: {  	s4 =	sld [smem:$0x3FFC];
	_ =	sdelay $0x3  }
0x95: {  	_ =	strace s4  }
0x96: {  	s4 =	sld [smem:$0x3FFD];
	_ =	sdelay $0x3  }
0x97: {  	_ =	strace s4  }
0x98: {  	_ =	strace $0x8FFFFFFF  }
0x99: {  	s19 =	sld [smem:$0x3FDB];
	_ =	sdelay $0x1  }
0x9a: {  	s5 =	simm.s32 $_scs_section_size  }
0x9b: {  	s6 =	simm.s32 $_size__tile_overlayer_lowered;
	s7 =	simm.s32 $_tile_overlayer_lowered  }
0x9c: {  	s22 =	simm.s32 $0x1BFF;
	s21 =	sshll.u32 s7, $0x1;
	s4 =	sadd.s32 s5, s19  }
0x9d: {  	s8 =	simm.s32 $0x0;
	s20 =	sshll.u32 s6, $0x1;
	s6 =	sadd.s32 s21, s4  }
0x9e: {  	[timem:s8], [sflag:s22] =	dma.local [hbm:s6], s20  }
0x9f: {  	_ =	swait.ge [sflag:s22], s20  }
0xa0: {  	s5 =	ssub.s32 $0x0, s20;
	[sflag:s22] =	ssyncset.done $0x0  }
0xa1: {  	[sflag:s22] =	ssyncadd.s32 s5;
	_ =	sdelay $0x1  }
0xa2: {  	s23 =	simm.s32 $0x1B8B  }
0xa3: {  	_ =	swait.ge [sflag:s23], $0x1  }
0xa4: {  	[sflag:s23] =	ssyncset.done $0x0  }
0xa5: {  	s25 =	simm.s32 $0x1B8E;
	s24 =	sld [smem:$0x3FFE];
	[sflag:s23] =	ssyncadd.s32 $0xFFFFFFFF  }
0xa6: {  	s26 =	simm.s32 $execute0_lowered;
	[smem:$0x3FD2] =	sst s25  }
0xa7: {  	s6 =	sshll.u32 s26, $0x1;
	_ =	strace $0x80000049;
	[dreg:$0x1] =	wrdreg $0xFFFFFFFF  }
0xa8: {  	s28 =	simm.s32 $_size_execute0_lowered;
	s4 =	sadd.s32 s4, s6;
	[dreg:$0x0] =	wrdreg $0x0  }
0xa9: {  	s6 =	sshll.u32 s28, $0x1;
	[dreg:$0x2] =	wrdreg s4  }
0xaa: {  	[dreg:$0x3] =	wrdreg s6  }
0xab: {  	[dreg:$0x4] =	wrdreg $0xC0  }
0xac: {  	_ =	task [dreg:s8], $0x5FFFF  }
0xad: {  	[dreg:$0x1] =	wrdreg $0xFFFFFFFF  }
0xae: {  	[dreg:$0x0] =	wrdreg $0x60  }
0xaf: {  	[dreg:$0x2] =	wrdreg s2  }
0xb0: {  	[dreg:$0x3] =	wrdreg s18  }
0xb1: {  	[dreg:$0x4] =	wrdreg s24  }
0xb2: {  	[dreg:$0x5] =	wrdreg $0x1B0000  }
0xb3: {  	[dreg:$0x6] =	wrdreg $0x9  }
0xb4: {  	_ =	task.clear_ibuf [dreg:s8], $0x7FFFF;
	_ =	strace $0x90000049  }
0xb5: {  	s29 =	simm.s32 $0x9;
	_ =	strace $0x8000004B  }
0xb6: {  	_ =	swait.ge [sflag:s29], $0x1  }
0xb7: {  	[sflag:s29] =	ssyncadd.s32 $0xFFFFFFFF  }
0xb8: {  	_ =	strace $0x9000004B  }
0xb9: {  	_ =	sfence  }
0xba: {  	s30 =	sld [smem:$0x0];
	_ =	sdelay $0x2  }
0xbb: {  	s31 =	sshll.u32 s1, $0xD;
	s1 =	sshrl.u32 s1, $0x2  }
0xbc: {  	s3 =	sand.u32 $0x4000, s31;
	s1 =	sadd.s32 s1, s30  }
0xbd: {  	s0 =	sor.u32 s3, s0;
	s1 =	sshll.u32 s1, $0x11  }
0xbe: {  	s0 =	sor.u32 s1, s0  }
0xbf: {  	s0 =	sadd.s32 $0x8F2B, s0  }
0xc0: {  	[sflag:s0] =	ssyncadd.remote.s32 $0x1  }
0xc1: {  	_ =	sfence.sel $0xFFFF  }
0xc2: {  	[dreg:$0x0] =	wrdreg $0xFFFFFFFF;
	(pc) =	sbr.abs _section_cstart, $3  }
0xc3: {  	[dreg:$0x1] =	wrdreg $0xFFFFFFFF  }
0xc4: {  	_ =	task.clear_ibuf [dreg:s8], $0x2FFFF;
	_ =	strace $0x9FFFFFFF  }
0xc5: {  	(tm) =	ssettm $0x7FFFFFFF  }
tec
execute0_lowered:
.L_overlay_start_1:
0x0: {  	(tag) =	ssettag $0x1  }
0x1: {  	s15 =	rddreg [dreg:$0x0]  }
0x2: {  	s14 =	rddreg [dreg:$0x1]  }
0x3: {  	s1 =	rddreg [dreg:$0x2]  }
0x4: {  	s0 =	rddreg [dreg:$0x3]  }
0x5: {  	s3 =	simm.s32 $0x0;
	s4 =	srdreg.scid;
	s25 =	stileid.u32  }
0x6: {  	s17 =	simm.s32 $0x100;
	s18 =	simm.s32 $0x19000;
	s19 =	simm.s32 $0x3  }
0x7: {  	s20 =	simm.s32 $0x1A000;
	s21 =	simm.s32 $0x2000;
	s22 =	simm.s32 $0x4000  }
0x8: {  	s23 =	simm.s32 $0x6000;
	s24 =	simm.s32 $0x1;
	s26 =	simm.s32 $0x18000  }
0x9: {  	s28 =	simm.s32 $0x0;
	[smem:$0x7FF] =	sst s3;
	s4 =	sand.u32 $0x1, s4  }
0xa: {  	s8 =	sshll.u32 s25, $0x11;
	s31 =	sshll.u32 s25, $0xC;
	p0 =	sne.s32 s25, $0x0  }
0xb: {  	s25 =	simm.s32 $0x2;
	_ =	strace $0x8000004A;
	s6 =	ssub.s32 $0x2, s4  }
0xc: {  	s5 =	sshll.u32 s4, $0x4;
	s4 =	sshll.u32 s4, $0x15;
	s7 =	sshrl.u32 s6, $0x1  }
0xd: {  	s9 =	sadd.s32 s5, s1;
	s12 =	sor.u32 s8, s4;
	s4 =	sadd.s32 $0x10, s1  }
0xe: {  	s1 =	smov.u32 s0;
	s10 =	ssub.s32 s6, s7;
	s11 =	sshrl.u32 s12, $0x3  }
0xf: {  	s7 =	sadd.s32 s31, s0;
	s8 =	sadd.s32 $0x400, s9;
	s16 =	sor.u32 $0x4000, s12  }
0x10: {  	s5 =	sadd.s32 s11, s15;
	s6 =	sadd.s32 s11, s14;
	s11 =	sor.u32 $0x3C00, s11  }
0x11: {  	s9 =	smax.u32 s10, $0x1;
	s16 =	sshrl.u32 s16, $0x3;
	s10 =	sadd.s32 s15, s11  }
0x12: {  	s11 =	sadd.s32 s14, s11;
	s12 =	sadd.s32 $0x400, s5;
	s13 =	sadd.s32 $0x400, s6  }
0x13: {  	s14 =	sadd.s32 s16, s14;
	s15 =	sadd.s32 s16, s15;
	s16 =	simm.s32 $0x80  }
.LBB2_1:
0x14: {  	s0 =	rddreg [dreg:$0x2]  }
0x15: {  	[tilespmem:s18], [sflag:$0x3] =	stream.strided.gather [hbm4b:s0+s16], $0x1000, s17, s16, $0x38;
	[tilespmem:$0x1C000] =	vst v63  }
0x16: {  	_ =	swait.ge [sflag:s19], $0x1000  }
0x17: {  	[sflag:s19] =	ssyncset.done $0x0  }
0x18: {  	[sflag:s19] =	ssyncadd.s32 $0xFFFFF000  }
0x19: {  	[tilespmem:s20], [sflag:$0x3] =	stream.strided.gather [hbm4b:s4+s16], $0x1000, s17, s16, $0x38;
	[tilespmem:$0x1C000] =	vst v63  }
0x1a: {  	_ =	swait.ge [sflag:s19], $0x1000  }
0x1b: {  	[sflag:s19] =	ssyncset.done $0x0  }
0x1c: {  	s29 =	simm.s32 $0x0;
	[sflag:s19] =	ssyncadd.s32 $0xFFFFF000  }
0x1d: {  	v0 =	vld [tilespmem:s29+$0x19000]  }
0x1e: {  	v1 =	vld [tilespmem:s29+$0x1A000];
	s29 =	simm.s32 $0x10  }
0x1f: {  	v2 =	vld [tilespmem:s29+$0x19000]  }
0x20: {  	v3 =	vld [tilespmem:s29+$0x1A000];
	s29 =	simm.s32 $0x20  }
0x21: {  	v4 =	vld [tilespmem:s29+$0x19000]  }
0x22: {  	v5 =	vld [tilespmem:s29+$0x1A000];
	_ =	sdelay $0x2  }
0x23: {  	v0 =	vadd.s32 v0, v1  }
0x24: {  	(xrf0) =	vadd.scan.msk.s32 $0xffff, v0;
	v0 =	vadd.s32 v2, v3  }
0x25: {  	s29 =	simm.s32 $0x30;
	(xrf0) =	vadd.scan.msk.s32 $0xffff, v0;
	v0 =	vadd.s32 v4, v5  }
0x26: {  	v1 =	vld [tilespmem:s29+$0x19000];
	(xrf0) =	vadd.scan.msk.s32 $0xffff, v0  }
0x27: {  	v2 =	vld [tilespmem:s29+$0x1A000];
	_ =	sdelay $0x2  }
0x28: {  	v0, _, _ =	vpop (xrf0)  }
0x29: {  	(v2sf) =	vpush v0, $0xF;
	v0, _, _ =	vpop (xrf0)  }
0x2a: {  	v1 =	vadd.s32 v1, v2;
	(v2sf) =	vpush v0, $0xF;
	v2, _, _ =	vpop (xrf0)  }
0x2b: {  	(v2sf) =	vpush v2, $0xF;
	_ =	sdelay $0x6  }
0x2c: {  	s30 =	simm.s32 $0x40  }
0x2d: {  	(xrf0) =	vadd.scan.msk.s32 $0xffff, v1;
	v1 =	vld [tilespmem:s30+$0x1A000]  }
0x2e: {  	s29 =	simm.s32 $0x140;
	v0 =	vld [tilespmem:s30+$0x19000];
	s30 =	simm.s32 $0x0  }
.LBB2_2:
0x2f: {  	p1 =	sne.s32 s29, $0x3FC0  }
.Ltmp0:
0x30: {  	_ = 	snop;
	(pc) =	sbr.rel @p1 .LBB2_2-.Ltmp0, $4  }
0x31: {  	_ = 	snop  }
0x32: {  	s31 =	sshra.s32 s29, $0x2  }
0x33: {  	s0 =	spop (v2sf);
	v3 =	vadd.s32 v0, v1;
	v0 =	vld [tilespmem:s31+$0x19000];
	v2, _, _ =	vpop (xrf0)  }
0x34: {  	s29 =	sadd.s32 $0x40, s29;
	s30 =	sadd.s32 s30, s0;
	v1 =	vld [tilespmem:s31+$0x1A000];
	(xrf0) =	vadd.scan.msk.s32 $0xffff, v3;
	(v2sf) =	vpush v2, $0xF  }
0x35: {  	_ =	sdelay $0x3  }
0x36: {  	v0 =	vadd.s32 v0, v1  }
0x37: {  	(xrf0) =	vadd.scan.msk.s32 $0xffff, v0;
	_ =	sdelay $0x4  }
0x38: {  	v62, _, _ =	vpop (xrf0)  }
0x39: {  	(v2sf) =	vpush v62, $0xF;
	v63, _, _ =	vpop (xrf0)  }
0x3a: {  	(v2sf) =	vpush v63, $0xF;
	_ =	sdelay $0x2  }
0x3b: {  	s0 =	spop (v2sf)  }
0x3c: {  	s0 =	spop (v2sf)  }
0x3d: {  	s0 =	simm.s32 $0x0  }
0x3e: {  	[tilespmem:s0], [sflag:$0x1] =	stream.linear.gather [hbm4b:s5+s0], $0x2000, $0x38;
	[tilespmem:$0x1C000] =	vst v63  }
0x3f: {  	_ = 	snop  }
0x40: {  	[tilespmem:s21], [sflag:$0x1] =	stream.linear.gather [hbm4b:s6+s0], $0x2000, $0x38;
	[tilespmem:$0x1C000] =	vst v63  }
0x41: {  	s0 =	sadd.s32 $0x0, s12  }
0x42: {  	[tilespmem:s22], [sflag:$0x2] =	stream.linear.gather [hbm4b:s0+s3], $0x2000, $0x38;
	[tilespmem:$0x1C000] =	vst v63  }
0x43: {  	s0 =	sadd.s32 $0x0, s13  }
0x44: {  	[tilespmem:s23], [sflag:$0x2] =	stream.linear.gather [hbm4b:s0+s3], $0x2000, $0x38;
	[tilespmem:$0x1C000] =	vst v63  }
0x45: {  	s29 =	spop (v2sf)  }
0x46: {  	s2 =	spop (v2sf)  }
0x47: {  	s31 =	spop (v2sf)  }
0x48: {  	_ =	swait.ge [sflag:s24], $0x2000  }
0x49: {  	[sflag:s24] =	ssyncset.done $0x0  }
0x4a: {  	[sflag:s24] =	ssyncadd.s32 $0xFFFFE000  }
0x4b: {  	_ =	swait.ge [sflag:s24], $0x2000  }
0x4c: {  	[sflag:s24] =	ssyncset.done $0x0  }
0x4d: {  	s2 =	sadd.s32 $0x0, s15;
	[sflag:s24] =	ssyncadd.s32 $0xFFFFE000  }
0x4e: {  	[tilespmem:s3], [sflag:$0x1] =	stream.linear.gather [hbm4b:s2+s3], $0x2000, $0x38;
	[tilespmem:$0x1C000] =	vst v63  }
0x4f: {  	s31 =	sadd.s32 $0x0, s14  }
0x50: {  	[tilespmem:s21], [sflag:$0x1] =	stream.linear.gather [hbm4b:s31+s3], $0x2000, $0x38;
	[tilespmem:$0x1C000] =	vst v63  }
0x51: {  	_ =	swait.ge [sflag:s25], $0x2000  }
0x52: {  	[sflag:s25] =	ssyncset.done $0x0  }
0x53: {  	[sflag:s25] =	ssyncadd.s32 $0xFFFFE000  }
0x54: {  	_ =	swait.ge [sflag:s25], $0x2000  }
0x55: {  	s30 =	simm.s32 $0x1000;
	s29 =	simm.s32 $0x800;
	[sflag:s25] =	ssyncset.done $0x0  }
.LBB2_4:
0x56: {  	s0 =	sadd.s32 s29, s12  }
0x57: {  	[sflag:s25] =	ssyncadd.s32 $0xFFFFE000;
	s31 =	smov.u32 s30;
	s2 =	sadd.s32 $0x800, s30  }
0x58: {  	[tilespmem:s22], [sflag:$0x2] =	stream.linear.gather [hbm4b:s0+s3], $0x2000, $0x38;
	[tilespmem:$0x1C000] =	vst v63  }
0x59: {  	p1 =	sne.s32 s30, $0x3000;
	s0 =	sadd.s32 s29, s13  }
0x5a: {  	[tilespmem:s23], [sflag:$0x2] =	stream.linear.gather [hbm4b:s0+s3], $0x2000, $0x38;
	[tilespmem:$0x1C000] =	vst v63  }
0x5b: {  	_ =	swait.ge [sflag:s24], $0x2000  }
0x5c: {  	[sflag:s24] =	ssyncset.done $0x0  }
0x5d: {  	[sflag:s24] =	ssyncadd.s32 $0xFFFFE000  }
0x5e: {  	_ =	swait.ge [sflag:s24], $0x2000  }
0x5f: {  	[sflag:s24] =	ssyncset.done $0x0  }
0x60: {  	s0 =	sadd.s32 s29, s15;
	[sflag:s24] =	ssyncadd.s32 $0xFFFFE000  }
0x61: {  	[tilespmem:s3], [sflag:$0x1] =	stream.linear.gather [hbm4b:s0+s3], $0x2000, $0x38;
	[tilespmem:$0x1C000] =	vst v63  }
0x62: {  	s0 =	sadd.s32 s29, s14;
	s29 =	smov.u32 s31  }
0x63: {  	[tilespmem:s21], [sflag:$0x1] =	stream.linear.gather [hbm4b:s0+s3], $0x2000, $0x38;
	[tilespmem:$0x1C000] =	vst v63  }
.Ltmp1:
0x64: {  	_ =	swait.ge [sflag:s25], $0x2000;
	(pc) =	sbr.rel @p1 .LBB2_4-.Ltmp1, $4  }
0x65: {  	[sflag:s25] =	ssyncset.done $0x0  }
0x66: {  	[sflag:s25] =	ssyncadd.s32 $0xFFFFE000  }
0x67: {  	_ =	swait.ge [sflag:s25], $0x2000  }
0x68: {  	s30 =	smov.u32 s2;
	[sflag:s25] =	ssyncset.done $0x0  }
0x69: {  	s0 =	sadd.s32 s29, s12;
	[sflag:s25] =	ssyncadd.s32 $0xFFFFE000  }
0x6a: {  	[tilespmem:s22], [sflag:$0x2] =	stream.linear.gather [hbm4b:s0+s3], $0x2000, $0x38;
	[tilespmem:$0x1C000] =	vst v63  }
0x6b: {  	s2 =	sadd.s32 s29, s13  }
0x6c: {  	[tilespmem:s23], [sflag:$0x2] =	stream.linear.gather [hbm4b:s2+s3], $0x2000, $0x38;
	[tilespmem:$0x1C000] =	vst v63  }
0x6d: {  	_ =	swait.ge [sflag:s24], $0x2000  }
0x6e: {  	[sflag:s24] =	ssyncset.done $0x0  }
0x6f: {  	[sflag:s24] =	ssyncadd.s32 $0xFFFFE000  }
0x70: {  	_ =	swait.ge [sflag:s24], $0x2000  }
0x71: {  	[sflag:s24] =	ssyncset.done $0x0  }
0x72: {  	s30 =	sadd.s32 s29, s15;
	[sflag:s24] =	ssyncadd.s32 $0xFFFFE000  }
0x73: {  	[tilespmem:s3], [sflag:$0x1] =	stream.linear.gather [hbm4b:s30+s3], $0x2000, $0x38;
	[tilespmem:$0x1C000] =	vst v63  }
0x74: {  	s31 =	sadd.s32 s29, s14  }
0x75: {  	[tilespmem:s21], [sflag:$0x1] =	stream.linear.gather [hbm4b:s31+s3], $0x2000, $0x38;
	[tilespmem:$0x1C000] =	vst v63  }
0x76: {  	_ =	swait.ge [sflag:s25], $0x2000  }
0x77: {  	[sflag:s25] =	ssyncset.done $0x0  }
0x78: {  	[sflag:s25] =	ssyncadd.s32 $0xFFFFE000  }
0x79: {  	_ =	swait.ge [sflag:s25], $0x2000  }
0x7a: {  	[sflag:s25] =	ssyncset.done $0x0  }
0x7b: {  	[sflag:s25] =	ssyncadd.s32 $0xFFFFE000  }
0x7c: {  	[tilespmem:s22], [sflag:$0x2] =	stream.linear.gather [hbm4b:s10+s3], $0x2000, $0x38;
	[tilespmem:$0x1C000] =	vst v63  }
0x7d: {  	_ = 	snop  }
0x7e: {  	[tilespmem:s23], [sflag:$0x2] =	stream.linear.gather [hbm4b:s11+s3], $0x2000, $0x38;
	[tilespmem:$0x1C000] =	vst v63  }
0x7f: {  	_ =	swait.ge [sflag:s24], $0x2000  }
0x80: {  	[sflag:s24] =	ssyncset.done $0x0  }
0x81: {  	[sflag:s24] =	ssyncadd.s32 $0xFFFFE000  }
0x82: {  	_ =	swait.ge [sflag:s24], $0x2000  }
0x83: {  	[sflag:s24] =	ssyncset.done $0x0  }
0x84: {  	[sflag:s24] =	ssyncadd.s32 $0xFFFFE000  }
0x85: {  	_ =	swait.ge [sflag:s25], $0x2000  }
0x86: {  	[sflag:s25] =	ssyncset.done $0x0  }
0x87: {  	[sflag:s25] =	ssyncadd.s32 $0xFFFFE000  }
0x88: {  	_ =	swait.ge [sflag:s25], $0x2000  }
0x89: {  	[sflag:s25] =	ssyncset.done $0x0  }
0x8a: {  	[sflag:s25] =	ssyncadd.s32 $0xFFFFE000  }
0x8b: {  	[spmem:s7] =	stream.linear.scatter [tilespmem:s26], [sflag:$0x3], $0x1000, $0x38;
	[tilespmem:$0x1C000] =	vst v63  }
0x8c: {  	_ =	swait.ge [sflag:s19], $0x1000  }
0x8d: {  	[sflag:s19] =	ssyncset.done $0x0  }
0x8e: {  	[sflag:s19] =	ssyncadd.s32 $0xFFFFF000  }
0x8f: {  	s0 =	simm.s32 @!p0 $0x8000;
	[bflag:$0x0] =	sbarrier.arrive $0xFFFF  }
0x90: {  	[tilespmem:s0], [sflag:$0x3] =	stream.linear.gather @!p0 [spmem:s1], $0x10000, $0x38;
	[tilespmem:$0x1C000] =	vst v63  }
0x91: {  	s0 =	simm.s32 @!p0 $0x3  }
0x92: {  	s29 =	simm.s32 @!p0 $0x100;
	s28 =	sadd.s32 $0x1, s28;
	_ =	swait.ge @!p0 [sflag:s0], $0x10000  }
0x93: {  	p1 =	sne.s32 s28, s9;
	s2 =	simm.s32 @!p0 $0x80;
	[sflag:s0] =	ssyncset.done @!p0 $0x0  }
.Ltmp2:
0x94: {  	s30 =	simm.s32 @!p0 $0x18000;
	[sflag:s0] =	ssyncadd.s32 @!p0 $0xFFFF0000;
	(pc) =	sbr.rel @p1 .LBB2_1-.Ltmp2, $4  }
0x95: {  	[hbm4b:s8+s2] =	stream.strided.scatter @!p0 [tilespmem:s30], [sflag:$0x3], $0x1000, s29, s2, $0x38;
	[tilespmem:$0x1C000] =	vst v63  }
0x96: {  	_ =	swait.ge @!p0 [sflag:s0], $0x1000  }
0x97: {  	[sflag:s0] =	ssyncset.done @!p0 $0x0  }
0x98: {  	[sflag:s0] =	ssyncadd.s32 @!p0 $0xFFFFF000  }
0x99: {  	_ =	sfence.sel $0x180000  }
0x9a: {  	[bflag:$0x0] =	sbarrier.arrive $0xFFFF  }
0x9b: {  	_ =	strace $0x9000004A  }
0x9c: {  	[bflag:$0x2] =	sbarrier.arrive $0xFFFF  }
0x9d: {  	s0 =	rddreg [dreg:$0x4]  }
0x9e: {  	s0 =	sadd.s32 @!p0 $0x100000, s0  }
0x9f: {  	[sflag:s0] =	ssyncadd.tile.s32 @!p0 $0x1;
	_ =	shalt  }
.Lfunc_end2:
_tile_overlayer_lowered:
.L_overlay_start_2:
0xa0: {  	(tag) =	ssettag $0x2  }
0xa1: {  	s0 =	rddreg [dreg:$0x0];
	s2 =	stileid.u32  }
0xa2: {  	s1 =	rddreg [dreg:$0x1];
	p0 =	sne.s32 s2, $0x0  }
0xa3: {  	s3 =	rddreg [dreg:$0x2];
	[bflag:$0x3] =	sbarrier.arrive $0xFFFF;
	s2 =	simm.s32 @!p0 $0x1C03  }
0xa4: {  	[timem:s3], [sflag:s2] =	dma.local @!p0 [hbm:s0], s1  }
0xa5: {  	s0 =	simm.s32 @!p0 $0x3  }
0xa6: {  	_ =	swait.ge @!p0 [sflag:s0], s1  }
0xa7: {  	s1 =	ssub.s32 @!p0 $0x0, s1;
	[sflag:s0] =	ssyncset.done @!p0 $0x0  }
0xa8: {  	[sflag:s0] =	ssyncadd.s32 @!p0 s1  }
0xa9: {  	[bflag:$0x3] =	sbarrier.arrive $0xFFFF  }
0xaa: {  	_ =	shalt  }

</sc_bundles>
